<compile_context>
chip_gen: v7x
topology: tpu7x:2x2x1
jax: 0.10.2.dev20260603
libtpu: 0.0.44.dev20260713+nightly
codegen_flags: <defaults>
</compile_context>

<pallas_src>
import jax
import jax.numpy as jnp
import numpy as np
from jax import lax
from jax.experimental import pallas as pl
from jax.experimental.pallas import tpu as pltpu
from jax.experimental.pallas import tpu_sc as plsc

MAX_SEQ_LEN = 200
D_MODEL = 128
BATCH = 1024
SEQ_LEN = 200

NUM_CORES = 2
NUM_SUBCORES = 16
NUM_WORKERS = NUM_CORES * NUM_SUBCORES

TOKENS = BATCH * SEQ_LEN
CHUNK = 128
TOKENS_PER_WORKER = TOKENS // NUM_WORKERS
CHUNKS = TOKENS_PER_WORKER // CHUNK
PE_ROWS = MAX_SEQ_LEN + CHUNK
LANES = 16
DVECS = D_MODEL // LANES
NOB = 4

SCALE = float(np.float32(np.sqrt(np.float32(D_MODEL))))


def _positional_encoding(seq_length, d_model):
    half = d_model // 2
    positions = np.arange(seq_length)[:, np.newaxis]
    d_models = np.arange(half)[np.newaxis, :] / half
    angle_rates = 1.0 / (10000.0 ** d_models)
    angle_rads = positions * angle_rates
    pe = np.concatenate([np.sin(angle_rads), np.cos(angle_rads)], axis=-1)
    return np.asarray(pe, dtype=np.float32)


_PE = _positional_encoding(MAX_SEQ_LEN, D_MODEL)
_PE2 = np.concatenate([_PE, _PE[:CHUNK]], axis=0)


def _sc_body(x_hbm, table_hbm, pe_hbm, out_hbm,
             idx_all, rows0, rows1, ob0, ob1, ob2, ob3,
             sg0, sg1, so0, so1, so2, so3, sp0, sp1, sp2, sp3):
    rows = (rows0, rows1)
    ob = (ob0, ob1, ob2, ob3)
    sg = (sg0, sg1)
    so = (so0, so1, so2, so3)
    sp = (sp0, sp1, sp2, sp3)

    c = lax.axis_index("c")
    s = lax.axis_index("s")
    wid = s * NUM_CORES + c
    row0 = wid * CHUNKS

    pltpu.sync_copy(x_hbm.at[wid], idx_all)

    def phase_of(g):
        return pl.multiple_of(lax.rem(g * CHUNK, MAX_SEQ_LEN), 8)

    def prefill(g, o):
        pltpu.async_copy(pe_hbm.at[pl.ds(phase_of(g), CHUNK)], ob[o], sp[o])

    prefill(0, 0)
    prefill(1, 1)
    pltpu.async_copy(table_hbm.at[idx_all.at[0]], rows0, sg0)

    def chunk_step(g, o, b):
        @pl.when(g + 1 < CHUNKS)
        def _():
            pltpu.async_copy(table_hbm.at[idx_all.at[g + 1]], rows[1 - b],
                             sg[1 - b])

        o2 = (o + 2) % NOB

        @pl.when(jnp.logical_and(g + 2 < CHUNKS, g >= 2))
        def _():
            pltpu.make_async_copy(ob[o2], out_hbm.at[pl.ds(0, CHUNK)],
                                  so[o2]).wait()

        @pl.when(g + 2 < CHUNKS)
        def _():
            prefill(g + 2, o2)

        pltpu.make_async_copy(pe_hbm.at[pl.ds(0, CHUNK)], ob[o],
                              sp[o]).wait()
        pltpu.make_async_copy(table_hbm.at[idx_all.at[g]], rows[b],
                              sg[b]).wait()

        def tok(t, _):
            for dv in range(DVECS):
                sl = pl.ds(dv * LANES, LANES)
                plsc.addupdate(ob[o].at[t, sl], rows[b][t, sl] * SCALE)
            return 0

        lax.fori_loop(0, CHUNK, tok, 0)

        pltpu.async_copy(ob[o], out_hbm.at[pl.ds((row0 + g) * CHUNK, CHUNK)],
                         so[o])

    def outer(i, _):
        g = 4 * i
        chunk_step(g, 0, 0)
        chunk_step(g + 1, 1, 1)
        chunk_step(g + 2, 2, 0)
        chunk_step(g + 3, 3, 1)
        return 0

    lax.fori_loop(0, (CHUNKS - 2) // 4, outer, 0)
    chunk_step(CHUNKS - 2, 0, 0)
    chunk_step(CHUNKS - 1, 1, 1)

    for o in range(NOB):
        pltpu.make_async_copy(ob[o], out_hbm.at[pl.ds(0, CHUNK)],
                              so[o]).wait()


@jax.jit
def kernel(x, table):
    x3d = x.reshape(NUM_WORKERS, CHUNKS, CHUNK)
    mesh = plsc.VectorSubcoreMesh(core_axis_name="c", subcore_axis_name="s")
    run = pl.kernel(
        _sc_body,
        out_type=jax.ShapeDtypeStruct((TOKENS, D_MODEL), jnp.float32),
        mesh=mesh,
        scratch_types=[
            pltpu.VMEM((CHUNKS, CHUNK), jnp.int32),
            pltpu.VMEM((CHUNK, D_MODEL), jnp.float32),
            pltpu.VMEM((CHUNK, D_MODEL), jnp.float32),
            pltpu.VMEM((CHUNK, D_MODEL), jnp.float32),
            pltpu.VMEM((CHUNK, D_MODEL), jnp.float32),
            pltpu.VMEM((CHUNK, D_MODEL), jnp.float32),
            pltpu.VMEM((CHUNK, D_MODEL), jnp.float32),
            pltpu.SemaphoreType.DMA,
            pltpu.SemaphoreType.DMA,
            pltpu.SemaphoreType.DMA,
            pltpu.SemaphoreType.DMA,
            pltpu.SemaphoreType.DMA,
            pltpu.SemaphoreType.DMA,
            pltpu.SemaphoreType.DMA,
            pltpu.SemaphoreType.DMA,
            pltpu.SemaphoreType.DMA,
            pltpu.SemaphoreType.DMA,
        ],
    )
    out = run(x3d, table, jnp.asarray(_PE2))
    return out.reshape(BATCH, SEQ_LEN, D_MODEL)

# --- scband reference (transcript-rebuilt; emitter-appended) ---
"""Pipeline reference for scband-positional-encoding-embedding-66571993088237 (READ-ONLY COPY).

The authoritative reference and input builder live on the scoring server;
editing this copy changes nothing except your own understanding.
"""

import jax, jax.numpy as jnp
import numpy as np

MAX_SEQ_LEN = 200
VOCAB_SIZE = 100000
D_MODEL = 128
BATCH = 1024
SEQ_LEN = 200

def positional_encoding(seq_length, d_model):
    half = d_model // 2
    positions = np.arange(seq_length)[:, np.newaxis]
    d_models = np.arange(half)[np.newaxis, :] / half
    angle_rates = 1.0 / (10000.0 ** d_models)
    angle_rads = positions * angle_rates
    pos_encoding = np.concatenate([np.sin(angle_rads), np.cos(angle_rads)], axis=-1)
    return jnp.asarray(pos_encoding, dtype=jnp.float32)

def setup_inputs(seed: int = 0):
    key = jax.random.key(seed)
    k1, k2 = jax.random.split(key)
    x = jax.random.randint(k1, (BATCH, SEQ_LEN), 0, VOCAB_SIZE, dtype=jnp.int32)
    table = jax.random.normal(k2, (VOCAB_SIZE, D_MODEL), dtype=jnp.float32) * 0.02
    return {"x": x, "table": table}

def reference(x, table):
    d_model = table.shape[1]
    length = x.shape[1]
    pe = positional_encoding(MAX_SEQ_LEN, d_model)
    emb = jnp.take(table, x, axis=0)
    emb = emb * jnp.sqrt(jnp.asarray(d_model, jnp.float32))
    out = emb + pe[jnp.newaxis, :length, :]
    return out

if __name__ == "__main__":
    import jax
    _d = setup_inputs()
    print(jax.jit(kernel)(*tuple(_d.values())))

</pallas_src>

<mosaic_0001>
#map = affine_map<(d0, d1) -> (0, 0, 0)>
#map1 = affine_map<(d0, d1) -> (0, 0)>
module attributes {stable_mosaic.version = 14 : i64} {
  func.func @_sc_body(%arg0: i32, %arg1: i32, %arg2: memref<32x50x128xi32, #tpu.memory_space<hbm>>, %arg3: memref<100000x128xf32, #tpu.memory_space<hbm>>, %arg4: memref<328x128xf32, #tpu.memory_space<hbm>>, %arg5: memref<204800x128xf32, #tpu.memory_space<hbm>>, %arg6: memref<50x128xi32, #tpu.memory_space<vmem>>, %arg7: memref<128x128xf32, #tpu.memory_space<vmem>>, %arg8: memref<128x128xf32, #tpu.memory_space<vmem>>, %arg9: memref<128x128xf32, #tpu.memory_space<vmem>>, %arg10: memref<128x128xf32, #tpu.memory_space<vmem>>, %arg11: memref<128x128xf32, #tpu.memory_space<vmem>>, %arg12: memref<128x128xf32, #tpu.memory_space<vmem>>, %arg13: memref<!tpu.dma_semaphore, #tpu.memory_space<semaphore_mem>>, %arg14: memref<!tpu.dma_semaphore, #tpu.memory_space<semaphore_mem>>, %arg15: memref<!tpu.dma_semaphore, #tpu.memory_space<semaphore_mem>>, %arg16: memref<!tpu.dma_semaphore, #tpu.memory_space<semaphore_mem>>, %arg17: memref<!tpu.dma_semaphore, #tpu.memory_space<semaphore_mem>>, %arg18: memref<!tpu.dma_semaphore, #tpu.memory_space<semaphore_mem>>, %arg19: memref<!tpu.dma_semaphore, #tpu.memory_space<semaphore_mem>>, %arg20: memref<!tpu.dma_semaphore, #tpu.memory_space<semaphore_mem>>, %arg21: memref<!tpu.dma_semaphore, #tpu.memory_space<semaphore_mem>>, %arg22: memref<!tpu.dma_semaphore, #tpu.memory_space<semaphore_mem>>) attributes {dimension_semantics = [#tpu.dimension_semantics<core_parallel>, #tpu.dimension_semantics<subcore_parallel>], iteration_bounds = array<i64: 2, 16>, scalar_prefetch = 0 : i64, scratch_operands = 17 : i64, tpu.core_type = #tpu.core_type<sc_vector_subcore>, window_params = [{transform_indices = #map}, {transform_indices = #map1}, {transform_indices = #map1}, {transform_indices = #map1}]} {
    %mul3A = arith.constant 2 : i32
    %mul3A_0 = arith.muli %arg1, %mul3A : i32
    %add3A = arith.addi %mul3A_0, %arg0 : i32
    %mul3A_1 = arith.constant 50 : i32
    %mul3A_2 = arith.muli %add3A, %mul3A_1 : i32
    "tpu.region"() ({
      %run_scoped3A = tpu.sem_alloc : memref<!tpu.dma_semaphore, #tpu.memory_space<semaphore_mem>>
      %dma_start3A_124 = arith.constant 0 : i32
      %dma_start3A_125 = arith.constant 0 : i32
      %dma_start3A_126 = tpu.memref_slice %arg2[%add3A, %dma_start3A_124, %dma_start3A_125] : memref<32x50x128xi32, #tpu.memory_space<hbm>> -> memref<1x50x128xi32, #tpu.memory_space<hbm>>
      %dma_start3A_127 = tpu.memref_squeeze %dma_start3A_126 : memref<1x50x128xi32, #tpu.memory_space<hbm>> -> memref<50x128xi32, #tpu.memory_space<hbm>>
      %dma_start3A_128 = arith.constant 0 : i32
      %dma_start3A_129 = arith.constant 0 : i32
      %dma_start3A_130 = tpu.memref_slice %arg2[%add3A, %dma_start3A_128, %dma_start3A_129] : memref<32x50x128xi32, #tpu.memory_space<hbm>> -> memref<1x50x128xi32, #tpu.memory_space<hbm>>
      %dma_start3A_131 = tpu.memref_squeeze %dma_start3A_130 : memref<1x50x128xi32, #tpu.memory_space<hbm>> -> memref<50x128xi32, #tpu.memory_space<hbm>>
      tpu.enqueue_dma source(%dma_start3A_131 : memref<50x128xi32, #tpu.memory_space<hbm>>) target(%arg6 : memref<50x128xi32, #tpu.memory_space<vmem>>) target_semaphore(%run_scoped3A : memref<!tpu.dma_semaphore, #tpu.memory_space<semaphore_mem>>)
      %dma_wait3A_132 = arith.constant 0 : i32
      %dma_wait3A_133 = arith.constant 0 : i32
      %dma_wait3A_134 = tpu.memref_slice %arg2[%add3A, %dma_wait3A_132, %dma_wait3A_133] : memref<32x50x128xi32, #tpu.memory_space<hbm>> -> memref<1x50x128xi32, #tpu.memory_space<hbm>>
      %dma_wait3A_135 = tpu.memref_squeeze %dma_wait3A_134 : memref<1x50x128xi32, #tpu.memory_space<hbm>> -> memref<50x128xi32, #tpu.memory_space<hbm>>
      %dma_wait3A_136 = arith.constant 0 : i32
      %dma_wait3A_137 = arith.constant 0 : i32
      %dma_wait3A_138 = tpu.memref_slice %arg2[%add3A, %dma_wait3A_136, %dma_wait3A_137] : memref<32x50x128xi32, #tpu.memory_space<hbm>> -> memref<1x50x128xi32, #tpu.memory_space<hbm>>
      %dma_wait3A_139 = tpu.memref_squeeze %dma_wait3A_138 : memref<1x50x128xi32, #tpu.memory_space<hbm>> -> memref<50x128xi32, #tpu.memory_space<hbm>>
      tpu.wait_dma2 semaphore(%run_scoped3A : memref<!tpu.dma_semaphore, #tpu.memory_space<semaphore_mem>>) src(%dma_wait3A_139 : memref<50x128xi32, #tpu.memory_space<hbm>>) dst(%arg6 : memref<50x128xi32, #tpu.memory_space<vmem>>)
      tpu.yield
    }) : () -> ()
    %rem3A = arith.constant 0 : i32
    %rem3A_3 = arith.constant 200 : i32
    %rem3A_4 = arith.remsi %rem3A, %rem3A_3 : i32
    %multiple_of3A = tpu.assume_multiple %rem3A_4, 8 : i32
    %dma_start3A = arith.constant 0 : i32
    %dma_start3A_5 = tpu.memref_slice %arg4[%multiple_of3A, %dma_start3A] : memref<328x128xf32, #tpu.memory_space<hbm>> -> memref<128x128xf32, #tpu.memory_space<hbm>>
    %dma_start3A_6 = arith.constant 0 : i32
    %dma_start3A_7 = tpu.memref_slice %arg4[%multiple_of3A, %dma_start3A_6] : memref<328x128xf32, #tpu.memory_space<hbm>> -> memref<128x128xf32, #tpu.memory_space<hbm>>
    tpu.enqueue_dma source(%dma_start3A_7 : memref<128x128xf32, #tpu.memory_space<hbm>>) target(%arg9 : memref<128x128xf32, #tpu.memory_space<vmem>>) target_semaphore(%arg19 : memref<!tpu.dma_semaphore, #tpu.memory_space<semaphore_mem>>)
    %rem3A_8 = arith.constant 128 : i32
    %rem3A_9 = arith.constant 200 : i32
    %rem3A_10 = arith.remsi %rem3A_8, %rem3A_9 : i32
    %multiple_of3A_11 = tpu.assume_multiple %rem3A_10, 8 : i32
    %dma_start3A_12 = arith.constant 0 : i32
    %dma_start3A_13 = tpu.memref_slice %arg4[%multiple_of3A_11, %dma_start3A_12] : memref<328x128xf32, #tpu.memory_space<hbm>> -> memref<128x128xf32, #tpu.memory_space<hbm>>
    %dma_start3A_14 = arith.constant 0 : i32
    %dma_start3A_15 = tpu.memref_slice %arg4[%multiple_of3A_11, %dma_start3A_14] : memref<328x128xf32, #tpu.memory_space<hbm>> -> memref<128x128xf32, #tpu.memory_space<hbm>>
    tpu.enqueue_dma source(%dma_start3A_15 : memref<128x128xf32, #tpu.memory_space<hbm>>) target(%arg10 : memref<128x128xf32, #tpu.memory_space<vmem>>) target_semaphore(%arg20 : memref<!tpu.dma_semaphore, #tpu.memory_space<semaphore_mem>>)
    %dma_start3A_16 = arith.constant 0 : i32
    %dma_start3A_17 = arith.constant 0 : i32
    %dma_start3A_18 = tpu.memref_slice %arg6[%dma_start3A_16, %dma_start3A_17] : memref<50x128xi32, #tpu.memory_space<vmem>> -> memref<1x128xi32, #tpu.memory_space<vmem>>
    %dma_start3A_19 = tpu.memref_squeeze %dma_start3A_18 : memref<1x128xi32, #tpu.memory_space<vmem>> -> memref<128xi32, #tpu.memory_space<vmem>>
    %dma_start3A_20 = arith.constant 0 : i32
    %dma_start3A_21 = arith.constant 0 : i32
    %dma_start3A_22 = tpu.memref_slice %arg3[%dma_start3A_20, %dma_start3A_21] : memref<100000x128xf32, #tpu.memory_space<hbm>> -> memref<100000x128xf32, #tpu.memory_space<hbm>>
    tpu.enqueue_indirect_dma source(%dma_start3A_22 : memref<100000x128xf32, #tpu.memory_space<hbm>>) target(%arg7 : memref<128x128xf32, #tpu.memory_space<vmem>>) offsets(%dma_start3A_19 : memref<128xi32, #tpu.memory_space<vmem>>) semaphore(%arg13 : memref<!tpu.dma_semaphore, #tpu.memory_space<semaphore_mem>>)
    %scan3A = arith.constant 0 : i32
    %scan3A_23 = arith.constant 0 : i32
    %scan3A_24 = arith.constant 12 : i32
    %scan3A_25 = arith.addi %scan3A_23, %scan3A_24 : i32
    %scan3A_26 = arith.constant 1 : i32
    %scan3A_27 = scf.for %scan3A_124 = %scan3A_23 to %scan3A_25 step %scan3A_26 iter_args(%scan3A_125 = %scan3A) -> (i32)  : i32 {
      %mul3A_126 = arith.constant 4 : i32
      %mul3A_127 = arith.muli %mul3A_126, %scan3A_124 : i32
      %add3A_128 = arith.constant 1 : i32
      %add3A_129 = arith.addi %mul3A_127, %add3A_128 : i32
      %lt3A = arith.constant 50 : i32
      %lt3A_130 = arith.cmpi slt, %add3A_129, %lt3A : i32
      %convert_element_type3A_131 = arith.extui %lt3A_130 : i1 to i32
      %cond3A_132 = arith.constant 0 : i32
      %cond3A_133 = arith.cmpi ne, %convert_element_type3A_131, %cond3A_132 : i32
      scf.if %cond3A_133 {
        %add3A_333 = arith.constant 1 : i32
        %add3A_334 = arith.addi %mul3A_127, %add3A_333 : i32
        %dma_start3A_335 = arith.constant 0 : i32
        %dma_start3A_336 = tpu.memref_slice %arg6[%add3A_334, %dma_start3A_335] : memref<50x128xi32, #tpu.memory_space<vmem>> -> memref<1x128xi32, #tpu.memory_space<vmem>>
        %dma_start3A_337 = tpu.memref_squeeze %dma_start3A_336 : memref<1x128xi32, #tpu.memory_space<vmem>> -> memref<128xi32, #tpu.memory_space<vmem>>
        %dma_start3A_338 = arith.constant 0 : i32
        %dma_start3A_339 = arith.constant 0 : i32
        %dma_start3A_340 = tpu.memref_slice %arg3[%dma_start3A_338, %dma_start3A_339] : memref<100000x128xf32, #tpu.memory_space<hbm>> -> memref<100000x128xf32, #tpu.memory_space<hbm>>
        tpu.enqueue_indirect_dma source(%dma_start3A_340 : memref<100000x128xf32, #tpu.memory_space<hbm>>) target(%arg8 : memref<128x128xf32, #tpu.memory_space<vmem>>) offsets(%dma_start3A_337 : memref<128xi32, #tpu.memory_space<vmem>>) semaphore(%arg14 : memref<!tpu.dma_semaphore, #tpu.memory_space<semaphore_mem>>)
      } else {
      }
      %add3A_134 = arith.constant 2 : i32
      %add3A_135 = arith.addi %mul3A_127, %add3A_134 : i32
      %lt3A_136 = arith.constant 50 : i32
      %lt3A_137 = arith.cmpi slt, %add3A_135, %lt3A_136 : i32
      %ge3A = arith.constant 2 : i32
      %ge3A_138 = arith.cmpi sge, %mul3A_127, %ge3A : i32
      %and3A_139 = arith.andi %lt3A_137, %ge3A_138 : i1
      %convert_element_type3A_140 = arith.extui %and3A_139 : i1 to i32
      %cond3A_141 = arith.constant 0 : i32
      %cond3A_142 = arith.cmpi ne, %convert_element_type3A_140, %cond3A_141 : i32
      scf.if %cond3A_142 {
        %dma_wait3A_333 = arith.constant 0 : i32
        %dma_wait3A_334 = arith.constant 0 : i32
        %dma_wait3A_335 = tpu.memref_slice %arg5[%dma_wait3A_333, %dma_wait3A_334] : memref<204800x128xf32, #tpu.memory_space<hbm>> -> memref<128x128xf32, #tpu.memory_space<hbm>>
        %dma_wait3A_336 = arith.constant 0 : i32
        %dma_wait3A_337 = arith.constant 0 : i32
        %dma_wait3A_338 = tpu.memref_slice %arg5[%dma_wait3A_336, %dma_wait3A_337] : memref<204800x128xf32, #tpu.memory_space<hbm>> -> memref<128x128xf32, #tpu.memory_space<hbm>>
        tpu.wait_dma2 semaphore(%arg17 : memref<!tpu.dma_semaphore, #tpu.memory_space<semaphore_mem>>) src(%arg11 : memref<128x128xf32, #tpu.memory_space<vmem>>) dst(%dma_wait3A_338 : memref<128x128xf32, #tpu.memory_space<hbm>>)
      } else {
      }
      %add3A_143 = arith.constant 2 : i32
      %add3A_144 = arith.addi %mul3A_127, %add3A_143 : i32
      %lt3A_145 = arith.constant 50 : i32
      %lt3A_146 = arith.cmpi slt, %add3A_144, %lt3A_145 : i32
      %convert_element_type3A_147 = arith.extui %lt3A_146 : i1 to i32
      %cond3A_148 = arith.constant 0 : i32
      %cond3A_149 = arith.cmpi ne, %convert_element_type3A_147, %cond3A_148 : i32
      scf.if %cond3A_149 {
        %add3A_333 = arith.constant 2 : i32
        %add3A_334 = arith.addi %mul3A_127, %add3A_333 : i32
        %mul3A_335 = arith.constant 128 : i32
        %mul3A_336 = arith.muli %add3A_334, %mul3A_335 : i32
        %rem3A_337 = arith.constant 200 : i32
        %rem3A_338 = arith.remsi %mul3A_336, %rem3A_337 : i32
        %multiple_of3A_339 = tpu.assume_multiple %rem3A_338, 8 : i32
        %dma_start3A_340 = arith.constant 0 : i32
        %dma_start3A_341 = tpu.memref_slice %arg4[%multiple_of3A_339, %dma_start3A_340] : memref<328x128xf32, #tpu.memory_space<hbm>> -> memref<128x128xf32, #tpu.memory_space<hbm>>
        %dma_start3A_342 = arith.constant 0 : i32
        %dma_start3A_343 = tpu.memref_slice %arg4[%multiple_of3A_339, %dma_start3A_342] : memref<328x128xf32, #tpu.memory_space<hbm>> -> memref<128x128xf32, #tpu.memory_space<hbm>>
        tpu.enqueue_dma source(%dma_start3A_343 : memref<128x128xf32, #tpu.memory_space<hbm>>) target(%arg11 : memref<128x128xf32, #tpu.memory_space<vmem>>) target_semaphore(%arg21 : memref<!tpu.dma_semaphore, #tpu.memory_space<semaphore_mem>>)
      } else {
      }
      %dma_wait3A_150 = arith.constant 0 : i32
      %dma_wait3A_151 = arith.constant 0 : i32
      %dma_wait3A_152 = tpu.memref_slice %arg4[%dma_wait3A_150, %dma_wait3A_151] : memref<328x128xf32, #tpu.memory_space<hbm>> -> memref<128x128xf32, #tpu.memory_space<hbm>>
      %dma_wait3A_153 = arith.constant 0 : i32
      %dma_wait3A_154 = arith.constant 0 : i32
      %dma_wait3A_155 = tpu.memref_slice %arg4[%dma_wait3A_153, %dma_wait3A_154] : memref<328x128xf32, #tpu.memory_space<hbm>> -> memref<128x128xf32, #tpu.memory_space<hbm>>
      tpu.wait_dma2 semaphore(%arg19 : memref<!tpu.dma_semaphore, #tpu.memory_space<semaphore_mem>>) src(%dma_wait3A_155 : memref<128x128xf32, #tpu.memory_space<hbm>>) dst(%arg9 : memref<128x128xf32, #tpu.memory_space<vmem>>)
      %dma_wait3A_156 = arith.constant 0 : i32
      %dma_wait3A_157 = tpu.memref_slice %arg6[%mul3A_127, %dma_wait3A_156] : memref<50x128xi32, #tpu.memory_space<vmem>> -> memref<1x128xi32, #tpu.memory_space<vmem>>
      %dma_wait3A_158 = tpu.memref_squeeze %dma_wait3A_157 : memref<1x128xi32, #tpu.memory_space<vmem>> -> memref<128xi32, #tpu.memory_space<vmem>>
      %dma_wait3A_159 = arith.constant 0 : i32
      %dma_wait3A_160 = arith.constant 0 : i32
      %dma_wait3A_161 = tpu.memref_slice %arg3[%dma_wait3A_159, %dma_wait3A_160] : memref<100000x128xf32, #tpu.memory_space<hbm>> -> memref<100000x128xf32, #tpu.memory_space<hbm>>
      tpu.wait_indirect_dma semaphore(%arg13 : memref<!tpu.dma_semaphore, #tpu.memory_space<semaphore_mem>>) src(%dma_wait3A_161 : memref<100000x128xf32, #tpu.memory_space<hbm>>) dst(%arg7 : memref<128x128xf32, #tpu.memory_space<vmem>>)
      %scan3A_162 = arith.constant 0 : i32
      %scan3A_163 = arith.constant 0 : i32
      %scan3A_164 = arith.constant 128 : i32
      %scan3A_165 = arith.addi %scan3A_163, %scan3A_164 : i32
      %scan3A_166 = arith.constant 1 : i32
      %scan3A_167 = scf.for %scan3A_333 = %scan3A_163 to %scan3A_165 step %scan3A_166 iter_args(%scan3A_334 = %scan3A_162) -> (i32)  : i32 {
        %get3A = arith.index_cast %scan3A_333 : i32 to index
        %get3A_335 = arith.constant 0 : index
        %get3A_336 = tpu.vector_load %arg7[%get3A, %get3A_335] {strides = array<i32>} : memref<128x128xf32, #tpu.memory_space<vmem>>, vector<1x16xf32>,
        %get3A_337 = vector.shape_cast %get3A_336 : vector<1x16xf32> to vector<16xf32>
        %mul3A_338 = arith.constant 11.3137083 : f32
        %mul3A_339 = vector.broadcast %mul3A_338 : f32 to vector<16xf32>
        %mul3A_340 = arith.mulf %get3A_337, %mul3A_339 : vector<16xf32>
        %swap3A = arith.index_cast %scan3A_333 : i32 to index
        %swap3A_341 = arith.constant 0 : index
        %swap3A_342 = tpu.vector_load %arg9[%swap3A, %swap3A_341] {strides = array<i32>} : memref<128x128xf32, #tpu.memory_space<vmem>>, vector<1x16xf32>,
        %swap3A_343 = vector.shape_cast %swap3A_342 : vector<1x16xf32> to vector<16xf32>
        %swap3A_344 = vector.shape_cast %mul3A_340 : vector<16xf32> to vector<1x16xf32>
        tpu.vector_store %arg9[%swap3A, %swap3A_341], %swap3A_344 {add = true, strides = array<i32>} : memref<128x128xf32, #tpu.memory_space<vmem>>, vector<1x16xf32>,
        %get3A_345 = arith.index_cast %scan3A_333 : i32 to index
        %get3A_346 = arith.constant 16 : index
        %get3A_347 = tpu.vector_load %arg7[%get3A_345, %get3A_346] {strides = array<i32>} : memref<128x128xf32, #tpu.memory_space<vmem>>, vector<1x16xf32>,
        %get3A_348 = vector.shape_cast %get3A_347 : vector<1x16xf32> to vector<16xf32>
        %mul3A_349 = arith.constant 11.3137083 : f32
        %mul3A_350 = vector.broadcast %mul3A_349 : f32 to vector<16xf32>
        %mul3A_351 = arith.mulf %get3A_348, %mul3A_350 : vector<16xf32>
        %swap3A_352 = arith.index_cast %scan3A_333 : i32 to index
        %swap3A_353 = arith.constant 16 : index
        %swap3A_354 = tpu.vector_load %arg9[%swap3A_352, %swap3A_353] {strides = array<i32>} : memref<128x128xf32, #tpu.memory_space<vmem>>, vector<1x16xf32>,
        %swap3A_355 = vector.shape_cast %swap3A_354 : vector<1x16xf32> to vector<16xf32>
        %swap3A_356 = vector.shape_cast %mul3A_351 : vector<16xf32> to vector<1x16xf32>
        tpu.vector_store %arg9[%swap3A_352, %swap3A_353], %swap3A_356 {add = true, strides = array<i32>} : memref<128x128xf32, #tpu.memory_space<vmem>>, vector<1x16xf32>,
        %get3A_357 = arith.index_cast %scan3A_333 : i32 to index
        %get3A_358 = arith.constant 32 : index
        %get3A_359 = tpu.vector_load %arg7[%get3A_357, %get3A_358] {strides = array<i32>} : memref<128x128xf32, #tpu.memory_space<vmem>>, vector<1x16xf32>,
        %get3A_360 = vector.shape_cast %get3A_359 : vector<1x16xf32> to vector<16xf32>
        %mul3A_361 = arith.constant 11.3137083 : f32
        %mul3A_362 = vector.broadcast %mul3A_361 : f32 to vector<16xf32>
        %mul3A_363 = arith.mulf %get3A_360, %mul3A_362 : vector<16xf32>
        %swap3A_364 = arith.index_cast %scan3A_333 : i32 to index
        %swap3A_365 = arith.constant 32 : index
        %swap3A_366 = tpu.vector_load %arg9[%swap3A_364, %swap3A_365] {strides = array<i32>} : memref<128x128xf32, #tpu.memory_space<vmem>>, vector<1x16xf32>,
        %swap3A_367 = vector.shape_cast %swap3A_366 : vector<1x16xf32> to vector<16xf32>
        %swap3A_368 = vector.shape_cast %mul3A_363 : vector<16xf32> to vector<1x16xf32>
        tpu.vector_store %arg9[%swap3A_364, %swap3A_365], %swap3A_368 {add = true, strides = array<i32>} : memref<128x128xf32, #tpu.memory_space<vmem>>, vector<1x16xf32>,
        %get3A_369 = arith.index_cast %scan3A_333 : i32 to index
        %get3A_370 = arith.constant 48 : index
        %get3A_371 = tpu.vector_load %arg7[%get3A_369, %get3A_370] {strides = array<i32>} : memref<128x128xf32, #tpu.memory_space<vmem>>, vector<1x16xf32>,
        %get3A_372 = vector.shape_cast %get3A_371 : vector<1x16xf32> to vector<16xf32>
        %mul3A_373 = arith.constant 11.3137083 : f32
        %mul3A_374 = vector.broadcast %mul3A_373 : f32 to vector<16xf32>
        %mul3A_375 = arith.mulf %get3A_372, %mul3A_374 : vector<16xf32>
        %swap3A_376 = arith.index_cast %scan3A_333 : i32 to index
        %swap3A_377 = arith.constant 48 : index
        %swap3A_378 = tpu.vector_load %arg9[%swap3A_376, %swap3A_377] {strides = array<i32>} : memref<128x128xf32, #tpu.memory_space<vmem>>, vector<1x16xf32>,
        %swap3A_379 = vector.shape_cast %swap3A_378 : vector<1x16xf32> to vector<16xf32>
        %swap3A_380 = vector.shape_cast %mul3A_375 : vector<16xf32> to vector<1x16xf32>
        tpu.vector_store %arg9[%swap3A_376, %swap3A_377], %swap3A_380 {add = true, strides = array<i32>} : memref<128x128xf32, #tpu.memory_space<vmem>>, vector<1x16xf32>,
        %get3A_381 = arith.index_cast %scan3A_333 : i32 to index
        %get3A_382 = arith.constant 64 : index
        %get3A_383 = tpu.vector_load %arg7[%get3A_381, %get3A_382] {strides = array<i32>} : memref<128x128xf32, #tpu.memory_space<vmem>>, vector<1x16xf32>,
        %get3A_384 = vector.shape_cast %get3A_383 : vector<1x16xf32> to vector<16xf32>
        %mul3A_385 = arith.constant 11.3137083 : f32
        %mul3A_386 = vector.broadcast %mul3A_385 : f32 to vector<16xf32>
        %mul3A_387 = arith.mulf %get3A_384, %mul3A_386 : vector<16xf32>
        %swap3A_388 = arith.index_cast %scan3A_333 : i32 to index
        %swap3A_389 = arith.constant 64 : index
        %swap3A_390 = tpu.vector_load %arg9[%swap3A_388, %swap3A_389] {strides = array<i32>} : memref<128x128xf32, #tpu.memory_space<vmem>>, vector<1x16xf32>,
        %swap3A_391 = vector.shape_cast %swap3A_390 : vector<1x16xf32> to vector<16xf32>
        %swap3A_392 = vector.shape_cast %mul3A_387 : vector<16xf32> to vector<1x16xf32>
        tpu.vector_store %arg9[%swap3A_388, %swap3A_389], %swap3A_392 {add = true, strides = array<i32>} : memref<128x128xf32, #tpu.memory_space<vmem>>, vector<1x16xf32>,
        %get3A_393 = arith.index_cast %scan3A_333 : i32 to index
        %get3A_394 = arith.constant 80 : index
        %get3A_395 = tpu.vector_load %arg7[%get3A_393, %get3A_394] {strides = array<i32>} : memref<128x128xf32, #tpu.memory_space<vmem>>, vector<1x16xf32>,
        %get3A_396 = vector.shape_cast %get3A_395 : vector<1x16xf32> to vector<16xf32>
        %mul3A_397 = arith.constant 11.3137083 : f32
        %mul3A_398 = vector.broadcast %mul3A_397 : f32 to vector<16xf32>
        %mul3A_399 = arith.mulf %get3A_396, %mul3A_398 : vector<16xf32>
        %swap3A_400 = arith.index_cast %scan3A_333 : i32 to index
        %swap3A_401 = arith.constant 80 : index
        %swap3A_402 = tpu.vector_load %arg9[%swap3A_400, %swap3A_401] {strides = array<i32>} : memref<128x128xf32, #tpu.memory_space<vmem>>, vector<1x16xf32>,
        %swap3A_403 = vector.shape_cast %swap3A_402 : vector<1x16xf32> to vector<16xf32>
        %swap3A_404 = vector.shape_cast %mul3A_399 : vector<16xf32> to vector<1x16xf32>
        tpu.vector_store %arg9[%swap3A_400, %swap3A_401], %swap3A_404 {add = true, strides = array<i32>} : memref<128x128xf32, #tpu.memory_space<vmem>>, vector<1x16xf32>,
        %get3A_405 = arith.index_cast %scan3A_333 : i32 to index
        %get3A_406 = arith.constant 96 : index
        %get3A_407 = tpu.vector_load %arg7[%get3A_405, %get3A_406] {strides = array<i32>} : memref<128x128xf32, #tpu.memory_space<vmem>>, vector<1x16xf32>,
        %get3A_408 = vector.shape_cast %get3A_407 : vector<1x16xf32> to vector<16xf32>
        %mul3A_409 = arith.constant 11.3137083 : f32
        %mul3A_410 = vector.broadcast %mul3A_409 : f32 to vector<16xf32>
        %mul3A_411 = arith.mulf %get3A_408, %mul3A_410 : vector<16xf32>
        %swap3A_412 = arith.index_cast %scan3A_333 : i32 to index
        %swap3A_413 = arith.constant 96 : index
        %swap3A_414 = tpu.vector_load %arg9[%swap3A_412, %swap3A_413] {strides = array<i32>} : memref<128x128xf32, #tpu.memory_space<vmem>>, vector<1x16xf32>,
        %swap3A_415 = vector.shape_cast %swap3A_414 : vector<1x16xf32> to vector<16xf32>
        %swap3A_416 = vector.shape_cast %mul3A_411 : vector<16xf32> to vector<1x16xf32>
        tpu.vector_store %arg9[%swap3A_412, %swap3A_413], %swap3A_416 {add = true, strides = array<i32>} : memref<128x128xf32, #tpu.memory_space<vmem>>, vector<1x16xf32>,
        %get3A_417 = arith.index_cast %scan3A_333 : i32 to index
        %get3A_418 = arith.constant 112 : index
        %get3A_419 = tpu.vector_load %arg7[%get3A_417, %get3A_418] {strides = array<i32>} : memref<128x128xf32, #tpu.memory_space<vmem>>, vector<1x16xf32>,
        %get3A_420 = vector.shape_cast %get3A_419 : vector<1x16xf32> to vector<16xf32>
        %mul3A_421 = arith.constant 11.3137083 : f32
        %mul3A_422 = vector.broadcast %mul3A_421 : f32 to vector<16xf32>
        %mul3A_423 = arith.mulf %get3A_420, %mul3A_422 : vector<16xf32>
        %swap3A_424 = arith.index_cast %scan3A_333 : i32 to index
        %swap3A_425 = arith.constant 112 : index
        %swap3A_426 = tpu.vector_load %arg9[%swap3A_424, %swap3A_425] {strides = array<i32>} : memref<128x128xf32, #tpu.memory_space<vmem>>, vector<1x16xf32>,
        %swap3A_427 = vector.shape_cast %swap3A_426 : vector<1x16xf32> to vector<16xf32>
        %swap3A_428 = vector.shape_cast %mul3A_423 : vector<16xf32> to vector<1x16xf32>
        tpu.vector_store %arg9[%swap3A_424, %swap3A_425], %swap3A_428 {add = true, strides = array<i32>} : memref<128x128xf32, #tpu.memory_space<vmem>>, vector<1x16xf32>,
        %scan3A_429 = arith.constant 0 : i32
        scf.yield %scan3A_429 : i32
      }
      %scan3A_168 = arith.constant 128 : i32
      %add3A_169 = arith.addi %mul3A_2, %mul3A_127 : i32
      %mul3A_170 = arith.constant 128 : i32
      %mul3A_171 = arith.muli %add3A_169, %mul3A_170 : i32
      %dma_start3A_172 = arith.constant 0 : i32
      %dma_start3A_173 = tpu.memref_slice %arg5[%mul3A_171, %dma_start3A_172] : memref<204800x128xf32, #tpu.memory_space<hbm>> -> memref<128x128xf32, #tpu.memory_space<hbm>>
      %dma_start3A_174 = arith.constant 0 : i32
      %dma_start3A_175 = tpu.memref_slice %arg5[%mul3A_171, %dma_start3A_174] : memref<204800x128xf32, #tpu.memory_space<hbm>> -> memref<128x128xf32, #tpu.memory_space<hbm>>
      tpu.enqueue_dma source(%arg9 : memref<128x128xf32, #tpu.memory_space<vmem>>) target(%dma_start3A_175 : memref<128x128xf32, #tpu.memory_space<hbm>>) target_semaphore(%arg15 : memref<!tpu.dma_semaphore, #tpu.memory_space<semaphore_mem>>)
      %add3A_176 = arith.constant 1 : i32
      %add3A_177 = arith.addi %mul3A_127, %add3A_176 : i32
      %add3A_178 = arith.constant 1 : i32
      %add3A_179 = arith.addi %add3A_177, %add3A_178 : i32
      %lt3A_180 = arith.constant 50 : i32
      %lt3A_181 = arith.cmpi slt, %add3A_179, %lt3A_180 : i32
      %convert_element_type3A_182 = arith.extui %lt3A_181 : i1 to i32
      %cond3A_183 = arith.constant 0 : i32
      %cond3A_184 = arith.cmpi ne, %convert_element_type3A_182, %cond3A_183 : i32
      scf.if %cond3A_184 {
        %add3A_333 = arith.constant 1 : i32
        %add3A_334 = arith.addi %add3A_177, %add3A_333 : i32
        %dma_start3A_335 = arith.constant 0 : i32
        %dma_start3A_336 = tpu.memref_slice %arg6[%add3A_334, %dma_start3A_335] : memref<50x128xi32, #tpu.memory_space<vmem>> -> memref<1x128xi32, #tpu.memory_space<vmem>>
        %dma_start3A_337 = tpu.memref_squeeze %dma_start3A_336 : memref<1x128xi32, #tpu.memory_space<vmem>> -> memref<128xi32, #tpu.memory_space<vmem>>
        %dma_start3A_338 = arith.constant 0 : i32
        %dma_start3A_339 = arith.constant 0 : i32
        %dma_start3A_340 = tpu.memref_slice %arg3[%dma_start3A_338, %dma_start3A_339] : memref<100000x128xf32, #tpu.memory_space<hbm>> -> memref<100000x128xf32, #tpu.memory_space<hbm>>
        tpu.enqueue_indirect_dma source(%dma_start3A_340 : memref<100000x128xf32, #tpu.memory_space<hbm>>) target(%arg7 : memref<128x128xf32, #tpu.memory_space<vmem>>) offsets(%dma_start3A_337 : memref<128xi32, #tpu.memory_space<vmem>>) semaphore(%arg13 : memref<!tpu.dma_semaphore, #tpu.memory_space<semaphore_mem>>)
      } else {
      }
      %add3A_185 = arith.constant 2 : i32
      %add3A_186 = arith.addi %add3A_177, %add3A_185 : i32
      %lt3A_187 = arith.constant 50 : i32
      %lt3A_188 = arith.cmpi slt, %add3A_186, %lt3A_187 : i32
      %ge3A_189 = arith.constant 2 : i32
      %ge3A_190 = arith.cmpi sge, %add3A_177, %ge3A_189 : i32
      %and3A_191 = arith.andi %lt3A_188, %ge3A_190 : i1
      %convert_element_type3A_192 = arith.extui %and3A_191 : i1 to i32
      %cond3A_193 = arith.constant 0 : i32
      %cond3A_194 = arith.cmpi ne, %convert_element_type3A_192, %cond3A_193 : i32
      scf.if %cond3A_194 {
        %dma_wait3A_333 = arith.constant 0 : i32
        %dma_wait3A_334 = arith.constant 0 : i32
        %dma_wait3A_335 = tpu.memref_slice %arg5[%dma_wait3A_333, %dma_wait3A_334] : memref<204800x128xf32, #tpu.memory_space<hbm>> -> memref<128x128xf32, #tpu.memory_space<hbm>>
        %dma_wait3A_336 = arith.constant 0 : i32
        %dma_wait3A_337 = arith.constant 0 : i32
        %dma_wait3A_338 = tpu.memref_slice %arg5[%dma_wait3A_336, %dma_wait3A_337] : memref<204800x128xf32, #tpu.memory_space<hbm>> -> memref<128x128xf32, #tpu.memory_space<hbm>>
        tpu.wait_dma2 semaphore(%arg18 : memref<!tpu.dma_semaphore, #tpu.memory_space<semaphore_mem>>) src(%arg12 : memref<128x128xf32, #tpu.memory_space<vmem>>) dst(%dma_wait3A_338 : memref<128x128xf32, #tpu.memory_space<hbm>>)
      } else {
      }
      %add3A_195 = arith.constant 2 : i32
      %add3A_196 = arith.addi %add3A_177, %add3A_195 : i32
      %lt3A_197 = arith.constant 50 : i32
      %lt3A_198 = arith.cmpi slt, %add3A_196, %lt3A_197 : i32
      %convert_element_type3A_199 = arith.extui %lt3A_198 : i1 to i32
      %cond3A_200 = arith.constant 0 : i32
      %cond3A_201 = arith.cmpi ne, %convert_element_type3A_199, %cond3A_200 : i32
      scf.if %cond3A_201 {
        %add3A_333 = arith.constant 2 : i32
        %add3A_334 = arith.addi %add3A_177, %add3A_333 : i32
        %mul3A_335 = arith.constant 128 : i32
        %mul3A_336 = arith.muli %add3A_334, %mul3A_335 : i32
        %rem3A_337 = arith.constant 200 : i32
        %rem3A_338 = arith.remsi %mul3A_336, %rem3A_337 : i32
        %multiple_of3A_339 = tpu.assume_multiple %rem3A_338, 8 : i32
        %dma_start3A_340 = arith.constant 0 : i32
        %dma_start3A_341 = tpu.memref_slice %arg4[%multiple_of3A_339, %dma_start3A_340] : memref<328x128xf32, #tpu.memory_space<hbm>> -> memref<128x128xf32, #tpu.memory_space<hbm>>
        %dma_start3A_342 = arith.constant 0 : i32
        %dma_start3A_343 = tpu.memref_slice %arg4[%multiple_of3A_339, %dma_start3A_342] : memref<328x128xf32, #tpu.memory_space<hbm>> -> memref<128x128xf32, #tpu.memory_space<hbm>>
        tpu.enqueue_dma source(%dma_start3A_343 : memref<128x128xf32, #tpu.memory_space<hbm>>) target(%arg12 : memref<128x128xf32, #tpu.memory_space<vmem>>) target_semaphore(%arg22 : memref<!tpu.dma_semaphore, #tpu.memory_space<semaphore_mem>>)
      } else {
      }
      %dma_wait3A_202 = arith.constant 0 : i32
      %dma_wait3A_203 = arith.constant 0 : i32
      %dma_wait3A_204 = tpu.memref_slice %arg4[%dma_wait3A_202, %dma_wait3A_203] : memref<328x128xf32, #tpu.memory_space<hbm>> -> memref<128x128xf32, #tpu.memory_space<hbm>>
      %dma_wait3A_205 = arith.constant 0 : i32
      %dma_wait3A_206 = arith.constant 0 : i32
      %dma_wait3A_207 = tpu.memref_slice %arg4[%dma_wait3A_205, %dma_wait3A_206] : memref<328x128xf32, #tpu.memory_space<hbm>> -> memref<128x128xf32, #tpu.memory_space<hbm>>
      tpu.wait_dma2 semaphore(%arg20 : memref<!tpu.dma_semaphore, #tpu.memory_space<semaphore_mem>>) src(%dma_wait3A_207 : memref<128x128xf32, #tpu.memory_space<hbm>>) dst(%arg10 : memref<128x128xf32, #tpu.memory_space<vmem>>)
      %dma_wait3A_208 = arith.constant 0 : i32
      %dma_wait3A_209 = tpu.memref_slice %arg6[%add3A_177, %dma_wait3A_208] : memref<50x128xi32, #tpu.memory_space<vmem>> -> memref<1x128xi32, #tpu.memory_space<vmem>>
      %dma_wait3A_210 = tpu.memref_squeeze %dma_wait3A_209 : memref<1x128xi32, #tpu.memory_space<vmem>> -> memref<128xi32, #tpu.memory_space<vmem>>
      %dma_wait3A_211 = arith.constant 0 : i32
      %dma_wait3A_212 = arith.constant 0 : i32
      %dma_wait3A_213 = tpu.memref_slice %arg3[%dma_wait3A_211, %dma_wait3A_212] : memref<100000x128xf32, #tpu.memory_space<hbm>> -> memref<100000x128xf32, #tpu.memory_space<hbm>>
      tpu.wait_indirect_dma semaphore(%arg14 : memref<!tpu.dma_semaphore, #tpu.memory_space<semaphore_mem>>) src(%dma_wait3A_213 : memref<100000x128xf32, #tpu.memory_space<hbm>>) dst(%arg8 : memref<128x128xf32, #tpu.memory_space<vmem>>)
      %scan3A_214 = arith.constant 0 : i32
      %scan3A_215 = arith.constant 0 : i32
      %scan3A_216 = arith.constant 128 : i32
      %scan3A_217 = arith.addi %scan3A_215, %scan3A_216 : i32
      %scan3A_218 = arith.constant 1 : i32
      %scan3A_219 = scf.for %scan3A_333 = %scan3A_215 to %scan3A_217 step %scan3A_218 iter_args(%scan3A_334 = %scan3A_214) -> (i32)  : i32 {
        %get3A = arith.index_cast %scan3A_333 : i32 to index
        %get3A_335 = arith.constant 0 : index
        %get3A_336 = tpu.vector_load %arg8[%get3A, %get3A_335] {strides = array<i32>} : memref<128x128xf32, #tpu.memory_space<vmem>>, vector<1x16xf32>,
        %get3A_337 = vector.shape_cast %get3A_336 : vector<1x16xf32> to vector<16xf32>
        %mul3A_338 = arith.constant 11.3137083 : f32
        %mul3A_339 = vector.broadcast %mul3A_338 : f32 to vector<16xf32>
        %mul3A_340 = arith.mulf %get3A_337, %mul3A_339 : vector<16xf32>
        %swap3A = arith.index_cast %scan3A_333 : i32 to index
        %swap3A_341 = arith.constant 0 : index
        %swap3A_342 = tpu.vector_load %arg10[%swap3A, %swap3A_341] {strides = array<i32>} : memref<128x128xf32, #tpu.memory_space<vmem>>, vector<1x16xf32>,
        %swap3A_343 = vector.shape_cast %swap3A_342 : vector<1x16xf32> to vector<16xf32>
        %swap3A_344 = vector.shape_cast %mul3A_340 : vector<16xf32> to vector<1x16xf32>
        tpu.vector_store %arg10[%swap3A, %swap3A_341], %swap3A_344 {add = true, strides = array<i32>} : memref<128x128xf32, #tpu.memory_space<vmem>>, vector<1x16xf32>,
        %get3A_345 = arith.index_cast %scan3A_333 : i32 to index
        %get3A_346 = arith.constant 16 : index
        %get3A_347 = tpu.vector_load %arg8[%get3A_345, %get3A_346] {strides = array<i32>} : memref<128x128xf32, #tpu.memory_space<vmem>>, vector<1x16xf32>,
        %get3A_348 = vector.shape_cast %get3A_347 : vector<1x16xf32> to vector<16xf32>
        %mul3A_349 = arith.constant 11.3137083 : f32
        %mul3A_350 = vector.broadcast %mul3A_349 : f32 to vector<16xf32>
        %mul3A_351 = arith.mulf %get3A_348, %mul3A_350 : vector<16xf32>
        %swap3A_352 = arith.index_cast %scan3A_333 : i32 to index
        %swap3A_353 = arith.constant 16 : index
        %swap3A_354 = tpu.vector_load %arg10[%swap3A_352, %swap3A_353] {strides = array<i32>} : memref<128x128xf32, #tpu.memory_space<vmem>>, vector<1x16xf32>,
        %swap3A_355 = vector.shape_cast %swap3A_354 : vector<1x16xf32> to vector<16xf32>
        %swap3A_356 = vector.shape_cast %mul3A_351 : vector<16xf32> to vector<1x16xf32>
        tpu.vector_store %arg10[%swap3A_352, %swap3A_353], %swap3A_356 {add = true, strides = array<i32>} : memref<128x128xf32, #tpu.memory_space<vmem>>, vector<1x16xf32>,
        %get3A_357 = arith.index_cast %scan3A_333 : i32 to index
        %get3A_358 = arith.constant 32 : index
        %get3A_359 = tpu.vector_load %arg8[%get3A_357, %get3A_358] {strides = array<i32>} : memref<128x128xf32, #tpu.memory_space<vmem>>, vector<1x16xf32>,
        %get3A_360 = vector.shape_cast %get3A_359 : vector<1x16xf32> to vector<16xf32>
        %mul3A_361 = arith.constant 11.3137083 : f32
        %mul3A_362 = vector.broadcast %mul3A_361 : f32 to vector<16xf32>
        %mul3A_363 = arith.mulf %get3A_360, %mul3A_362 : vector<16xf32>
        %swap3A_364 = arith.index_cast %scan3A_333 : i32 to index
        %swap3A_365 = arith.constant 32 : index
        %swap3A_366 = tpu.vector_load %arg10[%swap3A_364, %swap3A_365] {strides = array<i32>} : memref<128x128xf32, #tpu.memory_space<vmem>>, vector<1x16xf32>,
        %swap3A_367 = vector.shape_cast %swap3A_366 : vector<1x16xf32> to vector<16xf32>
        %swap3A_368 = vector.shape_cast %mul3A_363 : vector<16xf32> to vector<1x16xf32>
        tpu.vector_store %arg10[%swap3A_364, %swap3A_365], %swap3A_368 {add = true, strides = array<i32>} : memref<128x128xf32, #tpu.memory_space<vmem>>, vector<1x16xf32>,
        %get3A_369 = arith.index_cast %scan3A_333 : i32 to index
        %get3A_370 = arith.constant 48 : index
        %get3A_371 = tpu.vector_load %arg8[%get3A_369, %get3A_370] {strides = array<i32>} : memref<128x128xf32, #tpu.memory_space<vmem>>, vector<1x16xf32>,
        %get3A_372 = vector.shape_cast %get3A_371 : vector<1x16xf32> to vector<16xf32>
        %mul3A_373 = arith.constant 11.3137083 : f32
        %mul3A_374 = vector.broadcast %mul3A_373 : f32 to vector<16xf32>
        %mul3A_375 = arith.mulf %get3A_372, %mul3A_374 : vector<16xf32>
        %swap3A_376 = arith.index_cast %scan3A_333 : i32 to index
        %swap3A_377 = arith.constant 48 : index
        %swap3A_378 = tpu.vector_load %arg10[%swap3A_376, %swap3A_377] {strides = array<i32>} : memref<128x128xf32, #tpu.memory_space<vmem>>, vector<1x16xf32>,
        %swap3A_379 = vector.shape_cast %swap3A_378 : vector<1x16xf32> to vector<16xf32>
        %swap3A_380 = vector.shape_cast %mul3A_375 : vector<16xf32> to vector<1x16xf32>
        tpu.vector_store %arg10[%swap3A_376, %swap3A_377], %swap3A_380 {add = true, strides = array<i32>} : memref<128x128xf32, #tpu.memory_space<vmem>>, vector<1x16xf32>,
        %get3A_381 = arith.index_cast %scan3A_333 : i32 to index
        %get3A_382 = arith.constant 64 : index
        %get3A_383 = tpu.vector_load %arg8[%get3A_381, %get3A_382] {strides = array<i32>} : memref<128x128xf32, #tpu.memory_space<vmem>>, vector<1x16xf32>,
        %get3A_384 = vector.shape_cast %get3A_383 : vector<1x16xf32> to vector<16xf32>
        %mul3A_385 = arith.constant 11.3137083 : f32
        %mul3A_386 = vector.broadcast %mul3A_385 : f32 to vector<16xf32>
        %mul3A_387 = arith.mulf %get3A_384, %mul3A_386 : vector<16xf32>
        %swap3A_388 = arith.index_cast %scan3A_333 : i32 to index
        %swap3A_389 = arith.constant 64 : index
        %swap3A_390 = tpu.vector_load %arg10[%swap3A_388, %swap3A_389] {strides = array<i32>} : memref<128x128xf32, #tpu.memory_space<vmem>>, vector<1x16xf32>,
        %swap3A_391 = vector.shape_cast %swap3A_390 : vector<1x16xf32> to vector<16xf32>
        %swap3A_392 = vector.shape_cast %mul3A_387 : vector<16xf32> to vector<1x16xf32>
        tpu.vector_store %arg10[%swap3A_388, %swap3A_389], %swap3A_392 {add = true, strides = array<i32>} : memref<128x128xf32, #tpu.memory_space<vmem>>, vector<1x16xf32>,
        %get3A_393 = arith.index_cast %scan3A_333 : i32 to index
        %get3A_394 = arith.constant 80 : index
        %get3A_395 = tpu.vector_load %arg8[%get3A_393, %get3A_394] {strides = array<i32>} : memref<128x128xf32, #tpu.memory_space<vmem>>, vector<1x16xf32>,
        %get3A_396 = vector.shape_cast %get3A_395 : vector<1x16xf32> to vector<16xf32>
        %mul3A_397 = arith.constant 11.3137083 : f32
        %mul3A_398 = vector.broadcast %mul3A_397 : f32 to vector<16xf32>
        %mul3A_399 = arith.mulf %get3A_396, %mul3A_398 : vector<16xf32>
        %swap3A_400 = arith.index_cast %scan3A_333 : i32 to index
        %swap3A_401 = arith.constant 80 : index
        %swap3A_402 = tpu.vector_load %arg10[%swap3A_400, %swap3A_401] {strides = array<i32>} : memref<128x128xf32, #tpu.memory_space<vmem>>, vector<1x16xf32>,
        %swap3A_403 = vector.shape_cast %swap3A_402 : vector<1x16xf32> to vector<16xf32>
        %swap3A_404 = vector.shape_cast %mul3A_399 : vector<16xf32> to vector<1x16xf32>
        tpu.vector_store %arg10[%swap3A_400, %swap3A_401], %swap3A_404 {add = true, strides = array<i32>} : memref<128x128xf32, #tpu.memory_space<vmem>>, vector<1x16xf32>,
        %get3A_405 = arith.index_cast %scan3A_333 : i32 to index
        %get3A_406 = arith.constant 96 : index
        %get3A_407 = tpu.vector_load %arg8[%get3A_405, %get3A_406] {strides = array<i32>} : memref<128x128xf32, #tpu.memory_space<vmem>>, vector<1x16xf32>,
        %get3A_408 = vector.shape_cast %get3A_407 : vector<1x16xf32> to vector<16xf32>
        %mul3A_409 = arith.constant 11.3137083 : f32
        %mul3A_410 = vector.broadcast %mul3A_409 : f32 to vector<16xf32>
        %mul3A_411 = arith.mulf %get3A_408, %mul3A_410 : vector<16xf32>
        %swap3A_412 = arith.index_cast %scan3A_333 : i32 to index
        %swap3A_413 = arith.constant 96 : index
        %swap3A_414 = tpu.vector_load %arg10[%swap3A_412, %swap3A_413] {strides = array<i32>} : memref<128x128xf32, #tpu.memory_space<vmem>>, vector<1x16xf32>,
        %swap3A_415 = vector.shape_cast %swap3A_414 : vector<1x16xf32> to vector<16xf32>
        %swap3A_416 = vector.shape_cast %mul3A_411 : vector<16xf32> to vector<1x16xf32>
        tpu.vector_store %arg10[%swap3A_412, %swap3A_413], %swap3A_416 {add = true, strides = array<i32>} : memref<128x128xf32, #tpu.memory_space<vmem>>, vector<1x16xf32>,
        %get3A_417 = arith.index_cast %scan3A_333 : i32 to index
        %get3A_418 = arith.constant 112 : index
        %get3A_419 = tpu.vector_load %arg8[%get3A_417, %get3A_418] {strides = array<i32>} : memref<128x128xf32, #tpu.memory_space<vmem>>, vector<1x16xf32>,
        %get3A_420 = vector.shape_cast %get3A_419 : vector<1x16xf32> to vector<16xf32>
        %mul3A_421 = arith.constant 11.3137083 : f32
        %mul3A_422 = vector.broadcast %mul3A_421 : f32 to vector<16xf32>
        %mul3A_423 = arith.mulf %get3A_420, %mul3A_422 : vector<16xf32>
        %swap3A_424 = arith.index_cast %scan3A_333 : i32 to index
        %swap3A_425 = arith.constant 112 : index
        %swap3A_426 = tpu.vector_load %arg10[%swap3A_424, %swap3A_425] {strides = array<i32>} : memref<128x128xf32, #tpu.memory_space<vmem>>, vector<1x16xf32>,
        %swap3A_427 = vector.shape_cast %swap3A_426 : vector<1x16xf32> to vector<16xf32>
        %swap3A_428 = vector.shape_cast %mul3A_423 : vector<16xf32> to vector<1x16xf32>
        tpu.vector_store %arg10[%swap3A_424, %swap3A_425], %swap3A_428 {add = true, strides = array<i32>} : memref<128x128xf32, #tpu.memory_space<vmem>>, vector<1x16xf32>,
        %scan3A_429 = arith.constant 0 : i32
        scf.yield %scan3A_429 : i32
      }
      %scan3A_220 = arith.constant 128 : i32
      %add3A_221 = arith.addi %mul3A_2, %add3A_177 : i32
      %mul3A_222 = arith.constant 128 : i32
      %mul3A_223 = arith.muli %add3A_221, %mul3A_222 : i32
      %dma_start3A_224 = arith.constant 0 : i32
      %dma_start3A_225 = tpu.memref_slice %arg5[%mul3A_223, %dma_start3A_224] : memref<204800x128xf32, #tpu.memory_space<hbm>> -> memref<128x128xf32, #tpu.memory_space<hbm>>
      %dma_start3A_226 = arith.constant 0 : i32
      %dma_start3A_227 = tpu.memref_slice %arg5[%mul3A_223, %dma_start3A_226] : memref<204800x128xf32, #tpu.memory_space<hbm>> -> memref<128x128xf32, #tpu.memory_space<hbm>>
      tpu.enqueue_dma source(%arg10 : memref<128x128xf32, #tpu.memory_space<vmem>>) target(%dma_start3A_227 : memref<128x128xf32, #tpu.memory_space<hbm>>) target_semaphore(%arg16 : memref<!tpu.dma_semaphore, #tpu.memory_space<semaphore_mem>>)
      %add3A_228 = arith.constant 2 : i32
      %add3A_229 = arith.addi %mul3A_127, %add3A_228 : i32
      %add3A_230 = arith.constant 1 : i32
      %add3A_231 = arith.addi %add3A_229, %add3A_230 : i32
      %lt3A_232 = arith.constant 50 : i32
      %lt3A_233 = arith.cmpi slt, %add3A_231, %lt3A_232 : i32
      %convert_element_type3A_234 = arith.extui %lt3A_233 : i1 to i32
      %cond3A_235 = arith.constant 0 : i32
      %cond3A_236 = arith.cmpi ne, %convert_element_type3A_234, %cond3A_235 : i32
      scf.if %cond3A_236 {
        %add3A_333 = arith.constant 1 : i32
        %add3A_334 = arith.addi %add3A_229, %add3A_333 : i32
        %dma_start3A_335 = arith.constant 0 : i32
        %dma_start3A_336 = tpu.memref_slice %arg6[%add3A_334, %dma_start3A_335] : memref<50x128xi32, #tpu.memory_space<vmem>> -> memref<1x128xi32, #tpu.memory_space<vmem>>
        %dma_start3A_337 = tpu.memref_squeeze %dma_start3A_336 : memref<1x128xi32, #tpu.memory_space<vmem>> -> memref<128xi32, #tpu.memory_space<vmem>>
        %dma_start3A_338 = arith.constant 0 : i32
        %dma_start3A_339 = arith.constant 0 : i32
        %dma_start3A_340 = tpu.memref_slice %arg3[%dma_start3A_338, %dma_start3A_339] : memref<100000x128xf32, #tpu.memory_space<hbm>> -> memref<100000x128xf32, #tpu.memory_space<hbm>>
        tpu.enqueue_indirect_dma source(%dma_start3A_340 : memref<100000x128xf32, #tpu.memory_space<hbm>>) target(%arg8 : memref<128x128xf32, #tpu.memory_space<vmem>>) offsets(%dma_start3A_337 : memref<128xi32, #tpu.memory_space<vmem>>) semaphore(%arg14 : memref<!tpu.dma_semaphore, #tpu.memory_space<semaphore_mem>>)
      } else {
      }
      %add3A_237 = arith.constant 2 : i32
      %add3A_238 = arith.addi %add3A_229, %add3A_237 : i32
      %lt3A_239 = arith.constant 50 : i32
      %lt3A_240 = arith.cmpi slt, %add3A_238, %lt3A_239 : i32
      %ge3A_241 = arith.constant 2 : i32
      %ge3A_242 = arith.cmpi sge, %add3A_229, %ge3A_241 : i32
      %and3A_243 = arith.andi %lt3A_240, %ge3A_242 : i1
      %convert_element_type3A_244 = arith.extui %and3A_243 : i1 to i32
      %cond3A_245 = arith.constant 0 : i32
      %cond3A_246 = arith.cmpi ne, %convert_element_type3A_244, %cond3A_245 : i32
      scf.if %cond3A_246 {
        %dma_wait3A_333 = arith.constant 0 : i32
        %dma_wait3A_334 = arith.constant 0 : i32
        %dma_wait3A_335 = tpu.memref_slice %arg5[%dma_wait3A_333, %dma_wait3A_334] : memref<204800x128xf32, #tpu.memory_space<hbm>> -> memref<128x128xf32, #tpu.memory_space<hbm>>
        %dma_wait3A_336 = arith.constant 0 : i32
        %dma_wait3A_337 = arith.constant 0 : i32
        %dma_wait3A_338 = tpu.memref_slice %arg5[%dma_wait3A_336, %dma_wait3A_337] : memref<204800x128xf32, #tpu.memory_space<hbm>> -> memref<128x128xf32, #tpu.memory_space<hbm>>
        tpu.wait_dma2 semaphore(%arg15 : memref<!tpu.dma_semaphore, #tpu.memory_space<semaphore_mem>>) src(%arg9 : memref<128x128xf32, #tpu.memory_space<vmem>>) dst(%dma_wait3A_338 : memref<128x128xf32, #tpu.memory_space<hbm>>)
      } else {
      }
      %add3A_247 = arith.constant 2 : i32
      %add3A_248 = arith.addi %add3A_229, %add3A_247 : i32
      %lt3A_249 = arith.constant 50 : i32
      %lt3A_250 = arith.cmpi slt, %add3A_248, %lt3A_249 : i32
      %convert_element_type3A_251 = arith.extui %lt3A_250 : i1 to i32
      %cond3A_252 = arith.constant 0 : i32
      %cond3A_253 = arith.cmpi ne, %convert_element_type3A_251, %cond3A_252 : i32
      scf.if %cond3A_253 {
        %add3A_333 = arith.constant 2 : i32
        %add3A_334 = arith.addi %add3A_229, %add3A_333 : i32
        %mul3A_335 = arith.constant 128 : i32
        %mul3A_336 = arith.muli %add3A_334, %mul3A_335 : i32
        %rem3A_337 = arith.constant 200 : i32
        %rem3A_338 = arith.remsi %mul3A_336, %rem3A_337 : i32
        %multiple_of3A_339 = tpu.assume_multiple %rem3A_338, 8 : i32
        %dma_start3A_340 = arith.constant 0 : i32
        %dma_start3A_341 = tpu.memref_slice %arg4[%multiple_of3A_339, %dma_start3A_340] : memref<328x128xf32, #tpu.memory_space<hbm>> -> memref<128x128xf32, #tpu.memory_space<hbm>>
        %dma_start3A_342 = arith.constant 0 : i32
        %dma_start3A_343 = tpu.memref_slice %arg4[%multiple_of3A_339, %dma_start3A_342] : memref<328x128xf32, #tpu.memory_space<hbm>> -> memref<128x128xf32, #tpu.memory_space<hbm>>
        tpu.enqueue_dma source(%dma_start3A_343 : memref<128x128xf32, #tpu.memory_space<hbm>>) target(%arg9 : memref<128x128xf32, #tpu.memory_space<vmem>>) target_semaphore(%arg19 : memref<!tpu.dma_semaphore, #tpu.memory_space<semaphore_mem>>)
      } else {
      }
      %dma_wait3A_254 = arith.constant 0 : i32
      %dma_wait3A_255 = arith.constant 0 : i32
      %dma_wait3A_256 = tpu.memref_slice %arg4[%dma_wait3A_254, %dma_wait3A_255] : memref<328x128xf32, #tpu.memory_space<hbm>> -> memref<128x128xf32, #tpu.memory_space<hbm>>
      %dma_wait3A_257 = arith.constant 0 : i32
      %dma_wait3A_258 = arith.constant 0 : i32
      %dma_wait3A_259 = tpu.memref_slice %arg4[%dma_wait3A_257, %dma_wait3A_258] : memref<328x128xf32, #tpu.memory_space<hbm>> -> memref<128x128xf32, #tpu.memory_space<hbm>>
      tpu.wait_dma2 semaphore(%arg21 : memref<!tpu.dma_semaphore, #tpu.memory_space<semaphore_mem>>) src(%dma_wait3A_259 : memref<128x128xf32, #tpu.memory_space<hbm>>) dst(%arg11 : memref<128x128xf32, #tpu.memory_space<vmem>>)
      %dma_wait3A_260 = arith.constant 0 : i32
      %dma_wait3A_261 = tpu.memref_slice %arg6[%add3A_229, %dma_wait3A_260] : memref<50x128xi32, #tpu.memory_space<vmem>> -> memref<1x128xi32, #tpu.memory_space<vmem>>
      %dma_wait3A_262 = tpu.memref_squeeze %dma_wait3A_261 : memref<1x128xi32, #tpu.memory_space<vmem>> -> memref<128xi32, #tpu.memory_space<vmem>>
      %dma_wait3A_263 = arith.constant 0 : i32
      %dma_wait3A_264 = arith.constant 0 : i32
      %dma_wait3A_265 = tpu.memref_slice %arg3[%dma_wait3A_263, %dma_wait3A_264] : memref<100000x128xf32, #tpu.memory_space<hbm>> -> memref<100000x128xf32, #tpu.memory_space<hbm>>
      tpu.wait_indirect_dma semaphore(%arg13 : memref<!tpu.dma_semaphore, #tpu.memory_space<semaphore_mem>>) src(%dma_wait3A_265 : memref<100000x128xf32, #tpu.memory_space<hbm>>) dst(%arg7 : memref<128x128xf32, #tpu.memory_space<vmem>>)
      %scan3A_266 = arith.constant 0 : i32
      %scan3A_267 = arith.constant 0 : i32
      %scan3A_268 = arith.constant 128 : i32
      %scan3A_269 = arith.addi %scan3A_267, %scan3A_268 : i32
      %scan3A_270 = arith.constant 1 : i32
      %scan3A_271 = scf.for %scan3A_333 = %scan3A_267 to %scan3A_269 step %scan3A_270 iter_args(%scan3A_334 = %scan3A_266) -> (i32)  : i32 {
        %get3A = arith.index_cast %scan3A_333 : i32 to index
        %get3A_335 = arith.constant 0 : index
        %get3A_336 = tpu.vector_load %arg7[%get3A, %get3A_335] {strides = array<i32>} : memref<128x128xf32, #tpu.memory_space<vmem>>, vector<1x16xf32>,
        %get3A_337 = vector.shape_cast %get3A_336 : vector<1x16xf32> to vector<16xf32>
        %mul3A_338 = arith.constant 11.3137083 : f32
        %mul3A_339 = vector.broadcast %mul3A_338 : f32 to vector<16xf32>
        %mul3A_340 = arith.mulf %get3A_337, %mul3A_339 : vector<16xf32>
        %swap3A = arith.index_cast %scan3A_333 : i32 to index
        %swap3A_341 = arith.constant 0 : index
        %swap3A_342 = tpu.vector_load %arg11[%swap3A, %swap3A_341] {strides = array<i32>} : memref<128x128xf32, #tpu.memory_space<vmem>>, vector<1x16xf32>,
        %swap3A_343 = vector.shape_cast %swap3A_342 : vector<1x16xf32> to vector<16xf32>
        %swap3A_344 = vector.shape_cast %mul3A_340 : vector<16xf32> to vector<1x16xf32>
        tpu.vector_store %arg11[%swap3A, %swap3A_341], %swap3A_344 {add = true, strides = array<i32>} : memref<128x128xf32, #tpu.memory_space<vmem>>, vector<1x16xf32>,
        %get3A_345 = arith.index_cast %scan3A_333 : i32 to index
        %get3A_346 = arith.constant 16 : index
        %get3A_347 = tpu.vector_load %arg7[%get3A_345, %get3A_346] {strides = array<i32>} : memref<128x128xf32, #tpu.memory_space<vmem>>, vector<1x16xf32>,
        %get3A_348 = vector.shape_cast %get3A_347 : vector<1x16xf32> to vector<16xf32>
        %mul3A_349 = arith.constant 11.3137083 : f32
        %mul3A_350 = vector.broadcast %mul3A_349 : f32 to vector<16xf32>
        %mul3A_351 = arith.mulf %get3A_348, %mul3A_350 : vector<16xf32>
        %swap3A_352 = arith.index_cast %scan3A_333 : i32 to index
        %swap3A_353 = arith.constant 16 : index
        %swap3A_354 = tpu.vector_load %arg11[%swap3A_352, %swap3A_353] {strides = array<i32>} : memref<128x128xf32, #tpu.memory_space<vmem>>, vector<1x16xf32>,
        %swap3A_355 = vector.shape_cast %swap3A_354 : vector<1x16xf32> to vector<16xf32>
        %swap3A_356 = vector.shape_cast %mul3A_351 : vector<16xf32> to vector<1x16xf32>
        tpu.vector_store %arg11[%swap3A_352, %swap3A_353], %swap3A_356 {add = true, strides = array<i32>} : memref<128x128xf32, #tpu.memory_space<vmem>>, vector<1x16xf32>,
        %get3A_357 = arith.index_cast %scan3A_333 : i32 to index
        %get3A_358 = arith.constant 32 : index
        %get3A_359 = tpu.vector_load %arg7[%get3A_357, %get3A_358] {strides = array<i32>} : memref<128x128xf32, #tpu.memory_space<vmem>>, vector<1x16xf32>,
        %get3A_360 = vector.shape_cast %get3A_359 : vector<1x16xf32> to vector<16xf32>
        %mul3A_361 = arith.constant 11.3137083 : f32
        %mul3A_362 = vector.broadcast %mul3A_361 : f32 to vector<16xf32>
        %mul3A_363 = arith.mulf %get3A_360, %mul3A_362 : vector<16xf32>
        %swap3A_364 = arith.index_cast %scan3A_333 : i32 to index
        %swap3A_365 = arith.constant 32 : index
        %swap3A_366 = tpu.vector_load %arg11[%swap3A_364, %swap3A_365] {strides = array<i32>} : memref<128x128xf32, #tpu.memory_space<vmem>>, vector<1x16xf32>,
        %swap3A_367 = vector.shape_cast %swap3A_366 : vector<1x16xf32> to vector<16xf32>
        %swap3A_368 = vector.shape_cast %mul3A_363 : vector<16xf32> to vector<1x16xf32>
        tpu.vector_store %arg11[%swap3A_364, %swap3A_365], %swap3A_368 {add = true, strides = array<i32>} : memref<128x128xf32, #tpu.memory_space<vmem>>, vector<1x16xf32>,
        %get3A_369 = arith.index_cast %scan3A_333 : i32 to index
        %get3A_370 = arith.constant 48 : index
        %get3A_371 = tpu.vector_load %arg7[%get3A_369, %get3A_370] {strides = array<i32>} : memref<128x128xf32, #tpu.memory_space<vmem>>, vector<1x16xf32>,
        %get3A_372 = vector.shape_cast %get3A_371 : vector<1x16xf32> to vector<16xf32>
        %mul3A_373 = arith.constant 11.3137083 : f32
        %mul3A_374 = vector.broadcast %mul3A_373 : f32 to vector<16xf32>
        %mul3A_375 = arith.mulf %get3A_372, %mul3A_374 : vector<16xf32>
        %swap3A_376 = arith.index_cast %scan3A_333 : i32 to index
        %swap3A_377 = arith.constant 48 : index
        %swap3A_378 = tpu.vector_load %arg11[%swap3A_376, %swap3A_377] {strides = array<i32>} : memref<128x128xf32, #tpu.memory_space<vmem>>, vector<1x16xf32>,
        %swap3A_379 = vector.shape_cast %swap3A_378 : vector<1x16xf32> to vector<16xf32>
        %swap3A_380 = vector.shape_cast %mul3A_375 : vector<16xf32> to vector<1x16xf32>
        tpu.vector_store %arg11[%swap3A_376, %swap3A_377], %swap3A_380 {add = true, strides = array<i32>} : memref<128x128xf32, #tpu.memory_space<vmem>>, vector<1x16xf32>,
        %get3A_381 = arith.index_cast %scan3A_333 : i32 to index
        %get3A_382 = arith.constant 64 : index
        %get3A_383 = tpu.vector_load %arg7[%get3A_381, %get3A_382] {strides = array<i32>} : memref<128x128xf32, #tpu.memory_space<vmem>>, vector<1x16xf32>,
        %get3A_384 = vector.shape_cast %get3A_383 : vector<1x16xf32> to vector<16xf32>
        %mul3A_385 = arith.constant 11.3137083 : f32
        %mul3A_386 = vector.broadcast %mul3A_385 : f32 to vector<16xf32>
        %mul3A_387 = arith.mulf %get3A_384, %mul3A_386 : vector<16xf32>
        %swap3A_388 = arith.index_cast %scan3A_333 : i32 to index
        %swap3A_389 = arith.constant 64 : index
        %swap3A_390 = tpu.vector_load %arg11[%swap3A_388, %swap3A_389] {strides = array<i32>} : memref<128x128xf32, #tpu.memory_space<vmem>>, vector<1x16xf32>,
        %swap3A_391 = vector.shape_cast %swap3A_390 : vector<1x16xf32> to vector<16xf32>
        %swap3A_392 = vector.shape_cast %mul3A_387 : vector<16xf32> to vector<1x16xf32>
        tpu.vector_store %arg11[%swap3A_388, %swap3A_389], %swap3A_392 {add = true, strides = array<i32>} : memref<128x128xf32, #tpu.memory_space<vmem>>, vector<1x16xf32>,
        %get3A_393 = arith.index_cast %scan3A_333 : i32 to index
        %get3A_394 = arith.constant 80 : index
        %get3A_395 = tpu.vector_load %arg7[%get3A_393, %get3A_394] {strides = array<i32>} : memref<128x128xf32, #tpu.memory_space<vmem>>, vector<1x16xf32>,
        %get3A_396 = vector.shape_cast %get3A_395 : vector<1x16xf32> to vector<16xf32>
        %mul3A_397 = arith.constant 11.3137083 : f32
        %mul3A_398 = vector.broadcast %mul3A_397 : f32 to vector<16xf32>
        %mul3A_399 = arith.mulf %get3A_396, %mul3A_398 : vector<16xf32>
        %swap3A_400 = arith.index_cast %scan3A_333 : i32 to index
        %swap3A_401 = arith.constant 80 : index
        %swap3A_402 = tpu.vector_load %arg11[%swap3A_400, %swap3A_401] {strides = array<i32>} : memref<128x128xf32, #tpu.memory_space<vmem>>, vector<1x16xf32>,
        %swap3A_403 = vector.shape_cast %swap3A_402 : vector<1x16xf32> to vector<16xf32>
        %swap3A_404 = vector.shape_cast %mul3A_399 : vector<16xf32> to vector<1x16xf32>
        tpu.vector_store %arg11[%swap3A_400, %swap3A_401], %swap3A_404 {add = true, strides = array<i32>} : memref<128x128xf32, #tpu.memory_space<vmem>>, vector<1x16xf32>,
        %get3A_405 = arith.index_cast %scan3A_333 : i32 to index
        %get3A_406 = arith.constant 96 : index
        %get3A_407 = tpu.vector_load %arg7[%get3A_405, %get3A_406] {strides = array<i32>} : memref<128x128xf32, #tpu.memory_space<vmem>>, vector<1x16xf32>,
        %get3A_408 = vector.shape_cast %get3A_407 : vector<1x16xf32> to vector<16xf32>
        %mul3A_409 = arith.constant 11.3137083 : f32
        %mul3A_410 = vector.broadcast %mul3A_409 : f32 to vector<16xf32>
        %mul3A_411 = arith.mulf %get3A_408, %mul3A_410 : vector<16xf32>
        %swap3A_412 = arith.index_cast %scan3A_333 : i32 to index
        %swap3A_413 = arith.constant 96 : index
        %swap3A_414 = tpu.vector_load %arg11[%swap3A_412, %swap3A_413] {strides = array<i32>} : memref<128x128xf32, #tpu.memory_space<vmem>>, vector<1x16xf32>,
        %swap3A_415 = vector.shape_cast %swap3A_414 : vector<1x16xf32> to vector<16xf32>
        %swap3A_416 = vector.shape_cast %mul3A_411 : vector<16xf32> to vector<1x16xf32>
        tpu.vector_store %arg11[%swap3A_412, %swap3A_413], %swap3A_416 {add = true, strides = array<i32>} : memref<128x128xf32, #tpu.memory_space<vmem>>, vector<1x16xf32>,
        %get3A_417 = arith.index_cast %scan3A_333 : i32 to index
        %get3A_418 = arith.constant 112 : index
        %get3A_419 = tpu.vector_load %arg7[%get3A_417, %get3A_418] {strides = array<i32>} : memref<128x128xf32, #tpu.memory_space<vmem>>, vector<1x16xf32>,
        %get3A_420 = vector.shape_cast %get3A_419 : vector<1x16xf32> to vector<16xf32>
        %mul3A_421 = arith.constant 11.3137083 : f32
        %mul3A_422 = vector.broadcast %mul3A_421 : f32 to vector<16xf32>
        %mul3A_423 = arith.mulf %get3A_420, %mul3A_422 : vector<16xf32>
        %swap3A_424 = arith.index_cast %scan3A_333 : i32 to index
        %swap3A_425 = arith.constant 112 : index
        %swap3A_426 = tpu.vector_load %arg11[%swap3A_424, %swap3A_425] {strides = array<i32>} : memref<128x128xf32, #tpu.memory_space<vmem>>, vector<1x16xf32>,
        %swap3A_427 = vector.shape_cast %swap3A_426 : vector<1x16xf32> to vector<16xf32>
        %swap3A_428 = vector.shape_cast %mul3A_423 : vector<16xf32> to vector<1x16xf32>
        tpu.vector_store %arg11[%swap3A_424, %swap3A_425], %swap3A_428 {add = true, strides = array<i32>} : memref<128x128xf32, #tpu.memory_space<vmem>>, vector<1x16xf32>,
        %scan3A_429 = arith.constant 0 : i32
        scf.yield %scan3A_429 : i32
      }
      %scan3A_272 = arith.constant 128 : i32
      %add3A_273 = arith.addi %mul3A_2, %add3A_229 : i32
      %mul3A_274 = arith.constant 128 : i32
      %mul3A_275 = arith.muli %add3A_273, %mul3A_274 : i32
      %dma_start3A_276 = arith.constant 0 : i32
      %dma_start3A_277 = tpu.memref_slice %arg5[%mul3A_275, %dma_start3A_276] : memref<204800x128xf32, #tpu.memory_space<hbm>> -> memref<128x128xf32, #tpu.memory_space<hbm>>
      %dma_start3A_278 = arith.constant 0 : i32
      %dma_start3A_279 = tpu.memref_slice %arg5[%mul3A_275, %dma_start3A_278] : memref<204800x128xf32, #tpu.memory_space<hbm>> -> memref<128x128xf32, #tpu.memory_space<hbm>>
      tpu.enqueue_dma source(%arg11 : memref<128x128xf32, #tpu.memory_space<vmem>>) target(%dma_start3A_279 : memref<128x128xf32, #tpu.memory_space<hbm>>) target_semaphore(%arg17 : memref<!tpu.dma_semaphore, #tpu.memory_space<semaphore_mem>>)
      %add3A_280 = arith.constant 3 : i32
      %add3A_281 = arith.addi %mul3A_127, %add3A_280 : i32
      %add3A_282 = arith.constant 1 : i32
      %add3A_283 = arith.addi %add3A_281, %add3A_282 : i32
      %lt3A_284 = arith.constant 50 : i32
      %lt3A_285 = arith.cmpi slt, %add3A_283, %lt3A_284 : i32
      %convert_element_type3A_286 = arith.extui %lt3A_285 : i1 to i32
      %cond3A_287 = arith.constant 0 : i32
      %cond3A_288 = arith.cmpi ne, %convert_element_type3A_286, %cond3A_287 : i32
      scf.if %cond3A_288 {
        %add3A_333 = arith.constant 1 : i32
        %add3A_334 = arith.addi %add3A_281, %add3A_333 : i32
        %dma_start3A_335 = arith.constant 0 : i32
        %dma_start3A_336 = tpu.memref_slice %arg6[%add3A_334, %dma_start3A_335] : memref<50x128xi32, #tpu.memory_space<vmem>> -> memref<1x128xi32, #tpu.memory_space<vmem>>
        %dma_start3A_337 = tpu.memref_squeeze %dma_start3A_336 : memref<1x128xi32, #tpu.memory_space<vmem>> -> memref<128xi32, #tpu.memory_space<vmem>>
        %dma_start3A_338 = arith.constant 0 : i32
        %dma_start3A_339 = arith.constant 0 : i32
        %dma_start3A_340 = tpu.memref_slice %arg3[%dma_start3A_338, %dma_start3A_339] : memref<100000x128xf32, #tpu.memory_space<hbm>> -> memref<100000x128xf32, #tpu.memory_space<hbm>>
        tpu.enqueue_indirect_dma source(%dma_start3A_340 : memref<100000x128xf32, #tpu.memory_space<hbm>>) target(%arg7 : memref<128x128xf32, #tpu.memory_space<vmem>>) offsets(%dma_start3A_337 : memref<128xi32, #tpu.memory_space<vmem>>) semaphore(%arg13 : memref<!tpu.dma_semaphore, #tpu.memory_space<semaphore_mem>>)
      } else {
      }
      %add3A_289 = arith.constant 2 : i32
      %add3A_290 = arith.addi %add3A_281, %add3A_289 : i32
      %lt3A_291 = arith.constant 50 : i32
      %lt3A_292 = arith.cmpi slt, %add3A_290, %lt3A_291 : i32
      %ge3A_293 = arith.constant 2 : i32
      %ge3A_294 = arith.cmpi sge, %add3A_281, %ge3A_293 : i32
      %and3A_295 = arith.andi %lt3A_292, %ge3A_294 : i1
      %convert_element_type3A_296 = arith.extui %and3A_295 : i1 to i32
      %cond3A_297 = arith.constant 0 : i32
      %cond3A_298 = arith.cmpi ne, %convert_element_type3A_296, %cond3A_297 : i32
      scf.if %cond3A_298 {
        %dma_wait3A_333 = arith.constant 0 : i32
        %dma_wait3A_334 = arith.constant 0 : i32
        %dma_wait3A_335 = tpu.memref_slice %arg5[%dma_wait3A_333, %dma_wait3A_334] : memref<204800x128xf32, #tpu.memory_space<hbm>> -> memref<128x128xf32, #tpu.memory_space<hbm>>
        %dma_wait3A_336 = arith.constant 0 : i32
        %dma_wait3A_337 = arith.constant 0 : i32
        %dma_wait3A_338 = tpu.memref_slice %arg5[%dma_wait3A_336, %dma_wait3A_337] : memref<204800x128xf32, #tpu.memory_space<hbm>> -> memref<128x128xf32, #tpu.memory_space<hbm>>
        tpu.wait_dma2 semaphore(%arg16 : memref<!tpu.dma_semaphore, #tpu.memory_space<semaphore_mem>>) src(%arg10 : memref<128x128xf32, #tpu.memory_space<vmem>>) dst(%dma_wait3A_338 : memref<128x128xf32, #tpu.memory_space<hbm>>)
      } else {
      }
      %add3A_299 = arith.constant 2 : i32
      %add3A_300 = arith.addi %add3A_281, %add3A_299 : i32
      %lt3A_301 = arith.constant 50 : i32
      %lt3A_302 = arith.cmpi slt, %add3A_300, %lt3A_301 : i32
      %convert_element_type3A_303 = arith.extui %lt3A_302 : i1 to i32
      %cond3A_304 = arith.constant 0 : i32
      %cond3A_305 = arith.cmpi ne, %convert_element_type3A_303, %cond3A_304 : i32
      scf.if %cond3A_305 {
        %add3A_333 = arith.constant 2 : i32
        %add3A_334 = arith.addi %add3A_281, %add3A_333 : i32
        %mul3A_335 = arith.constant 128 : i32
        %mul3A_336 = arith.muli %add3A_334, %mul3A_335 : i32
        %rem3A_337 = arith.constant 200 : i32
        %rem3A_338 = arith.remsi %mul3A_336, %rem3A_337 : i32
        %multiple_of3A_339 = tpu.assume_multiple %rem3A_338, 8 : i32
        %dma_start3A_340 = arith.constant 0 : i32
        %dma_start3A_341 = tpu.memref_slice %arg4[%multiple_of3A_339, %dma_start3A_340] : memref<328x128xf32, #tpu.memory_space<hbm>> -> memref<128x128xf32, #tpu.memory_space<hbm>>
        %dma_start3A_342 = arith.constant 0 : i32
        %dma_start3A_343 = tpu.memref_slice %arg4[%multiple_of3A_339, %dma_start3A_342] : memref<328x128xf32, #tpu.memory_space<hbm>> -> memref<128x128xf32, #tpu.memory_space<hbm>>
        tpu.enqueue_dma source(%dma_start3A_343 : memref<128x128xf32, #tpu.memory_space<hbm>>) target(%arg10 : memref<128x128xf32, #tpu.memory_space<vmem>>) target_semaphore(%arg20 : memref<!tpu.dma_semaphore, #tpu.memory_space<semaphore_mem>>)
      } else {
      }
      %dma_wait3A_306 = arith.constant 0 : i32
      %dma_wait3A_307 = arith.constant 0 : i32
      %dma_wait3A_308 = tpu.memref_slice %arg4[%dma_wait3A_306, %dma_wait3A_307] : memref<328x128xf32, #tpu.memory_space<hbm>> -> memref<128x128xf32, #tpu.memory_space<hbm>>
      %dma_wait3A_309 = arith.constant 0 : i32
      %dma_wait3A_310 = arith.constant 0 : i32
      %dma_wait3A_311 = tpu.memref_slice %arg4[%dma_wait3A_309, %dma_wait3A_310] : memref<328x128xf32, #tpu.memory_space<hbm>> -> memref<128x128xf32, #tpu.memory_space<hbm>>
      tpu.wait_dma2 semaphore(%arg22 : memref<!tpu.dma_semaphore, #tpu.memory_space<semaphore_mem>>) src(%dma_wait3A_311 : memref<128x128xf32, #tpu.memory_space<hbm>>) dst(%arg12 : memref<128x128xf32, #tpu.memory_space<vmem>>)
      %dma_wait3A_312 = arith.constant 0 : i32
      %dma_wait3A_313 = tpu.memref_slice %arg6[%add3A_281, %dma_wait3A_312] : memref<50x128xi32, #tpu.memory_space<vmem>> -> memref<1x128xi32, #tpu.memory_space<vmem>>
      %dma_wait3A_314 = tpu.memref_squeeze %dma_wait3A_313 : memref<1x128xi32, #tpu.memory_space<vmem>> -> memref<128xi32, #tpu.memory_space<vmem>>
      %dma_wait3A_315 = arith.constant 0 : i32
      %dma_wait3A_316 = arith.constant 0 : i32
      %dma_wait3A_317 = tpu.memref_slice %arg3[%dma_wait3A_315, %dma_wait3A_316] : memref<100000x128xf32, #tpu.memory_space<hbm>> -> memref<100000x128xf32, #tpu.memory_space<hbm>>
      tpu.wait_indirect_dma semaphore(%arg14 : memref<!tpu.dma_semaphore, #tpu.memory_space<semaphore_mem>>) src(%dma_wait3A_317 : memref<100000x128xf32, #tpu.memory_space<hbm>>) dst(%arg8 : memref<128x128xf32, #tpu.memory_space<vmem>>)
      %scan3A_318 = arith.constant 0 : i32
      %scan3A_319 = arith.constant 0 : i32
      %scan3A_320 = arith.constant 128 : i32
      %scan3A_321 = arith.addi %scan3A_319, %scan3A_320 : i32
      %scan3A_322 = arith.constant 1 : i32
      %scan3A_323 = scf.for %scan3A_333 = %scan3A_319 to %scan3A_321 step %scan3A_322 iter_args(%scan3A_334 = %scan3A_318) -> (i32)  : i32 {
        %get3A = arith.index_cast %scan3A_333 : i32 to index
        %get3A_335 = arith.constant 0 : index
        %get3A_336 = tpu.vector_load %arg8[%get3A, %get3A_335] {strides = array<i32>} : memref<128x128xf32, #tpu.memory_space<vmem>>, vector<1x16xf32>,
        %get3A_337 = vector.shape_cast %get3A_336 : vector<1x16xf32> to vector<16xf32>
        %mul3A_338 = arith.constant 11.3137083 : f32
        %mul3A_339 = vector.broadcast %mul3A_338 : f32 to vector<16xf32>
        %mul3A_340 = arith.mulf %get3A_337, %mul3A_339 : vector<16xf32>
        %swap3A = arith.index_cast %scan3A_333 : i32 to index
        %swap3A_341 = arith.constant 0 : index
        %swap3A_342 = tpu.vector_load %arg12[%swap3A, %swap3A_341] {strides = array<i32>} : memref<128x128xf32, #tpu.memory_space<vmem>>, vector<1x16xf32>,
        %swap3A_343 = vector.shape_cast %swap3A_342 : vector<1x16xf32> to vector<16xf32>
        %swap3A_344 = vector.shape_cast %mul3A_340 : vector<16xf32> to vector<1x16xf32>
        tpu.vector_store %arg12[%swap3A, %swap3A_341], %swap3A_344 {add = true, strides = array<i32>} : memref<128x128xf32, #tpu.memory_space<vmem>>, vector<1x16xf32>,
        %get3A_345 = arith.index_cast %scan3A_333 : i32 to index
        %get3A_346 = arith.constant 16 : index
        %get3A_347 = tpu.vector_load %arg8[%get3A_345, %get3A_346] {strides = array<i32>} : memref<128x128xf32, #tpu.memory_space<vmem>>, vector<1x16xf32>,
        %get3A_348 = vector.shape_cast %get3A_347 : vector<1x16xf32> to vector<16xf32>
        %mul3A_349 = arith.constant 11.3137083 : f32
        %mul3A_350 = vector.broadcast %mul3A_349 : f32 to vector<16xf32>
        %mul3A_351 = arith.mulf %get3A_348, %mul3A_350 : vector<16xf32>
        %swap3A_352 = arith.index_cast %scan3A_333 : i32 to index
        %swap3A_353 = arith.constant 16 : index
        %swap3A_354 = tpu.vector_load %arg12[%swap3A_352, %swap3A_353] {strides = array<i32>} : memref<128x128xf32, #tpu.memory_space<vmem>>, vector<1x16xf32>,
        %swap3A_355 = vector.shape_cast %swap3A_354 : vector<1x16xf32> to vector<16xf32>
        %swap3A_356 = vector.shape_cast %mul3A_351 : vector<16xf32> to vector<1x16xf32>
        tpu.vector_store %arg12[%swap3A_352, %swap3A_353], %swap3A_356 {add = true, strides = array<i32>} : memref<128x128xf32, #tpu.memory_space<vmem>>, vector<1x16xf32>,
        %get3A_357 = arith.index_cast %scan3A_333 : i32 to index
        %get3A_358 = arith.constant 32 : index
        %get3A_359 = tpu.vector_load %arg8[%get3A_357, %get3A_358] {strides = array<i32>} : memref<128x128xf32, #tpu.memory_space<vmem>>, vector<1x16xf32>,
        %get3A_360 = vector.shape_cast %get3A_359 : vector<1x16xf32> to vector<16xf32>
        %mul3A_361 = arith.constant 11.3137083 : f32
        %mul3A_362 = vector.broadcast %mul3A_361 : f32 to vector<16xf32>
        %mul3A_363 = arith.mulf %get3A_360, %mul3A_362 : vector<16xf32>
        %swap3A_364 = arith.index_cast %scan3A_333 : i32 to index
        %swap3A_365 = arith.constant 32 : index
        %swap3A_366 = tpu.vector_load %arg12[%swap3A_364, %swap3A_365] {strides = array<i32>} : memref<128x128xf32, #tpu.memory_space<vmem>>, vector<1x16xf32>,
        %swap3A_367 = vector.shape_cast %swap3A_366 : vector<1x16xf32> to vector<16xf32>
        %swap3A_368 = vector.shape_cast %mul3A_363 : vector<16xf32> to vector<1x16xf32>
        tpu.vector_store %arg12[%swap3A_364, %swap3A_365], %swap3A_368 {add = true, strides = array<i32>} : memref<128x128xf32, #tpu.memory_space<vmem>>, vector<1x16xf32>,
        %get3A_369 = arith.index_cast %scan3A_333 : i32 to index
        %get3A_370 = arith.constant 48 : index
        %get3A_371 = tpu.vector_load %arg8[%get3A_369, %get3A_370] {strides = array<i32>} : memref<128x128xf32, #tpu.memory_space<vmem>>, vector<1x16xf32>,
        %get3A_372 = vector.shape_cast %get3A_371 : vector<1x16xf32> to vector<16xf32>
        %mul3A_373 = arith.constant 11.3137083 : f32
        %mul3A_374 = vector.broadcast %mul3A_373 : f32 to vector<16xf32>
        %mul3A_375 = arith.mulf %get3A_372, %mul3A_374 : vector<16xf32>
        %swap3A_376 = arith.index_cast %scan3A_333 : i32 to index
        %swap3A_377 = arith.constant 48 : index
        %swap3A_378 = tpu.vector_load %arg12[%swap3A_376, %swap3A_377] {strides = array<i32>} : memref<128x128xf32, #tpu.memory_space<vmem>>, vector<1x16xf32>,
        %swap3A_379 = vector.shape_cast %swap3A_378 : vector<1x16xf32> to vector<16xf32>
        %swap3A_380 = vector.shape_cast %mul3A_375 : vector<16xf32> to vector<1x16xf32>
        tpu.vector_store %arg12[%swap3A_376, %swap3A_377], %swap3A_380 {add = true, strides = array<i32>} : memref<128x128xf32, #tpu.memory_space<vmem>>, vector<1x16xf32>,
        %get3A_381 = arith.index_cast %scan3A_333 : i32 to index
        %get3A_382 = arith.constant 64 : index
        %get3A_383 = tpu.vector_load %arg8[%get3A_381, %get3A_382] {strides = array<i32>} : memref<128x128xf32, #tpu.memory_space<vmem>>, vector<1x16xf32>,
        %get3A_384 = vector.shape_cast %get3A_383 : vector<1x16xf32> to vector<16xf32>
        %mul3A_385 = arith.constant 11.3137083 : f32
        %mul3A_386 = vector.broadcast %mul3A_385 : f32 to vector<16xf32>
        %mul3A_387 = arith.mulf %get3A_384, %mul3A_386 : vector<16xf32>
        %swap3A_388 = arith.index_cast %scan3A_333 : i32 to index
        %swap3A_389 = arith.constant 64 : index
        %swap3A_390 = tpu.vector_load %arg12[%swap3A_388, %swap3A_389] {strides = array<i32>} : memref<128x128xf32, #tpu.memory_space<vmem>>, vector<1x16xf32>,
        %swap3A_391 = vector.shape_cast %swap3A_390 : vector<1x16xf32> to vector<16xf32>
        %swap3A_392 = vector.shape_cast %mul3A_387 : vector<16xf32> to vector<1x16xf32>
        tpu.vector_store %arg12[%swap3A_388, %swap3A_389], %swap3A_392 {add = true, strides = array<i32>} : memref<128x128xf32, #tpu.memory_space<vmem>>, vector<1x16xf32>,
        %get3A_393 = arith.index_cast %scan3A_333 : i32 to index
        %get3A_394 = arith.constant 80 : index
        %get3A_395 = tpu.vector_load %arg8[%get3A_393, %get3A_394] {strides = array<i32>} : memref<128x128xf32, #tpu.memory_space<vmem>>, vector<1x16xf32>,
        %get3A_396 = vector.shape_cast %get3A_395 : vector<1x16xf32> to vector<16xf32>
        %mul3A_397 = arith.constant 11.3137083 : f32
        %mul3A_398 = vector.broadcast %mul3A_397 : f32 to vector<16xf32>
        %mul3A_399 = arith.mulf %get3A_396, %mul3A_398 : vector<16xf32>
        %swap3A_400 = arith.index_cast %scan3A_333 : i32 to index
        %swap3A_401 = arith.constant 80 : index
        %swap3A_402 = tpu.vector_load %arg12[%swap3A_400, %swap3A_401] {strides = array<i32>} : memref<128x128xf32, #tpu.memory_space<vmem>>, vector<1x16xf32>,
        %swap3A_403 = vector.shape_cast %swap3A_402 : vector<1x16xf32> to vector<16xf32>
        %swap3A_404 = vector.shape_cast %mul3A_399 : vector<16xf32> to vector<1x16xf32>
        tpu.vector_store %arg12[%swap3A_400, %swap3A_401], %swap3A_404 {add = true, strides = array<i32>} : memref<128x128xf32, #tpu.memory_space<vmem>>, vector<1x16xf32>,
        %get3A_405 = arith.index_cast %scan3A_333 : i32 to index
        %get3A_406 = arith.constant 96 : index
        %get3A_407 = tpu.vector_load %arg8[%get3A_405, %get3A_406] {strides = array<i32>} : memref<128x128xf32, #tpu.memory_space<vmem>>, vector<1x16xf32>,
        %get3A_408 = vector.shape_cast %get3A_407 : vector<1x16xf32> to vector<16xf32>
        %mul3A_409 = arith.constant 11.3137083 : f32
        %mul3A_410 = vector.broadcast %mul3A_409 : f32 to vector<16xf32>
        %mul3A_411 = arith.mulf %get3A_408, %mul3A_410 : vector<16xf32>
        %swap3A_412 = arith.index_cast %scan3A_333 : i32 to index
        %swap3A_413 = arith.constant 96 : index
        %swap3A_414 = tpu.vector_load %arg12[%swap3A_412, %swap3A_413] {strides = array<i32>} : memref<128x128xf32, #tpu.memory_space<vmem>>, vector<1x16xf32>,
        %swap3A_415 = vector.shape_cast %swap3A_414 : vector<1x16xf32> to vector<16xf32>
        %swap3A_416 = vector.shape_cast %mul3A_411 : vector<16xf32> to vector<1x16xf32>
        tpu.vector_store %arg12[%swap3A_412, %swap3A_413], %swap3A_416 {add = true, strides = array<i32>} : memref<128x128xf32, #tpu.memory_space<vmem>>, vector<1x16xf32>,
        %get3A_417 = arith.index_cast %scan3A_333 : i32 to index
        %get3A_418 = arith.constant 112 : index
        %get3A_419 = tpu.vector_load %arg8[%get3A_417, %get3A_418] {strides = array<i32>} : memref<128x128xf32, #tpu.memory_space<vmem>>, vector<1x16xf32>,
        %get3A_420 = vector.shape_cast %get3A_419 : vector<1x16xf32> to vector<16xf32>
        %mul3A_421 = arith.constant 11.3137083 : f32
        %mul3A_422 = vector.broadcast %mul3A_421 : f32 to vector<16xf32>
        %mul3A_423 = arith.mulf %get3A_420, %mul3A_422 : vector<16xf32>
        %swap3A_424 = arith.index_cast %scan3A_333 : i32 to index
        %swap3A_425 = arith.constant 112 : index
        %swap3A_426 = tpu.vector_load %arg12[%swap3A_424, %swap3A_425] {strides = array<i32>} : memref<128x128xf32, #tpu.memory_space<vmem>>, vector<1x16xf32>,
        %swap3A_427 = vector.shape_cast %swap3A_426 : vector<1x16xf32> to vector<16xf32>
        %swap3A_428 = vector.shape_cast %mul3A_423 : vector<16xf32> to vector<1x16xf32>
        tpu.vector_store %arg12[%swap3A_424, %swap3A_425], %swap3A_428 {add = true, strides = array<i32>} : memref<128x128xf32, #tpu.memory_space<vmem>>, vector<1x16xf32>,
        %scan3A_429 = arith.constant 0 : i32
        scf.yield %scan3A_429 : i32
      }
      %scan3A_324 = arith.constant 128 : i32
      %add3A_325 = arith.addi %mul3A_2, %add3A_281 : i32
      %mul3A_326 = arith.constant 128 : i32
      %mul3A_327 = arith.muli %add3A_325, %mul3A_326 : i32
      %dma_start3A_328 = arith.constant 0 : i32
      %dma_start3A_329 = tpu.memref_slice %arg5[%mul3A_327, %dma_start3A_328] : memref<204800x128xf32, #tpu.memory_space<hbm>> -> memref<128x128xf32, #tpu.memory_space<hbm>>
      %dma_start3A_330 = arith.constant 0 : i32
      %dma_start3A_331 = tpu.memref_slice %arg5[%mul3A_327, %dma_start3A_330] : memref<204800x128xf32, #tpu.memory_space<hbm>> -> memref<128x128xf32, #tpu.memory_space<hbm>>
      tpu.enqueue_dma source(%arg12 : memref<128x128xf32, #tpu.memory_space<vmem>>) target(%dma_start3A_331 : memref<128x128xf32, #tpu.memory_space<hbm>>) target_semaphore(%arg18 : memref<!tpu.dma_semaphore, #tpu.memory_space<semaphore_mem>>)
      %scan3A_332 = arith.constant 0 : i32
      scf.yield %scan3A_332 : i32
    }
    %scan3A_28 = arith.constant 12 : i32
    %dma_start3A_29 = arith.constant 49 : i32
    %dma_start3A_30 = arith.constant 0 : i32
    %dma_start3A_31 = tpu.memref_slice %arg6[%dma_start3A_29, %dma_start3A_30] : memref<50x128xi32, #tpu.memory_space<vmem>> -> memref<1x128xi32, #tpu.memory_space<vmem>>
    %dma_start3A_32 = tpu.memref_squeeze %dma_start3A_31 : memref<1x128xi32, #tpu.memory_space<vmem>> -> memref<128xi32, #tpu.memory_space<vmem>>
    %dma_start3A_33 = arith.constant 0 : i32
    %dma_start3A_34 = arith.constant 0 : i32
    %dma_start3A_35 = tpu.memref_slice %arg3[%dma_start3A_33, %dma_start3A_34] : memref<100000x128xf32, #tpu.memory_space<hbm>> -> memref<100000x128xf32, #tpu.memory_space<hbm>>
    tpu.enqueue_indirect_dma source(%dma_start3A_35 : memref<100000x128xf32, #tpu.memory_space<hbm>>) target(%arg8 : memref<128x128xf32, #tpu.memory_space<vmem>>) offsets(%dma_start3A_32 : memref<128xi32, #tpu.memory_space<vmem>>) semaphore(%arg14 : memref<!tpu.dma_semaphore, #tpu.memory_space<semaphore_mem>>)
    %and3A = arith.constant false
    %and3A_36 = arith.constant true
    %and3A_37 = arith.andi %and3A, %and3A_36 : i1
    %convert_element_type3A = arith.extui %and3A_37 : i1 to i32
    %cond3A = arith.constant 0 : i32
    %cond3A_38 = arith.cmpi ne, %convert_element_type3A, %cond3A : i32
    scf.if %cond3A_38 {
      %dma_wait3A_124 = arith.constant 0 : i32
      %dma_wait3A_125 = arith.constant 0 : i32
      %dma_wait3A_126 = tpu.memref_slice %arg5[%dma_wait3A_124, %dma_wait3A_125] : memref<204800x128xf32, #tpu.memory_space<hbm>> -> memref<128x128xf32, #tpu.memory_space<hbm>>
      %dma_wait3A_127 = arith.constant 0 : i32
      %dma_wait3A_128 = arith.constant 0 : i32
      %dma_wait3A_129 = tpu.memref_slice %arg5[%dma_wait3A_127, %dma_wait3A_128] : memref<204800x128xf32, #tpu.memory_space<hbm>> -> memref<128x128xf32, #tpu.memory_space<hbm>>
      tpu.wait_dma2 semaphore(%arg17 : memref<!tpu.dma_semaphore, #tpu.memory_space<semaphore_mem>>) src(%arg11 : memref<128x128xf32, #tpu.memory_space<vmem>>) dst(%dma_wait3A_129 : memref<128x128xf32, #tpu.memory_space<hbm>>)
    } else {
    }
    %dma_wait3A = arith.constant 0 : i32
    %dma_wait3A_39 = arith.constant 0 : i32
    %dma_wait3A_40 = tpu.memref_slice %arg4[%dma_wait3A, %dma_wait3A_39] : memref<328x128xf32, #tpu.memory_space<hbm>> -> memref<128x128xf32, #tpu.memory_space<hbm>>
    %dma_wait3A_41 = arith.constant 0 : i32
    %dma_wait3A_42 = arith.constant 0 : i32
    %dma_wait3A_43 = tpu.memref_slice %arg4[%dma_wait3A_41, %dma_wait3A_42] : memref<328x128xf32, #tpu.memory_space<hbm>> -> memref<128x128xf32, #tpu.memory_space<hbm>>
    tpu.wait_dma2 semaphore(%arg19 : memref<!tpu.dma_semaphore, #tpu.memory_space<semaphore_mem>>) src(%dma_wait3A_43 : memref<128x128xf32, #tpu.memory_space<hbm>>) dst(%arg9 : memref<128x128xf32, #tpu.memory_space<vmem>>)
    %dma_wait3A_44 = arith.constant 48 : i32
    %dma_wait3A_45 = arith.constant 0 : i32
    %dma_wait3A_46 = tpu.memref_slice %arg6[%dma_wait3A_44, %dma_wait3A_45] : memref<50x128xi32, #tpu.memory_space<vmem>> -> memref<1x128xi32, #tpu.memory_space<vmem>>
    %dma_wait3A_47 = tpu.memref_squeeze %dma_wait3A_46 : memref<1x128xi32, #tpu.memory_space<vmem>> -> memref<128xi32, #tpu.memory_space<vmem>>
    %dma_wait3A_48 = arith.constant 0 : i32
    %dma_wait3A_49 = arith.constant 0 : i32
    %dma_wait3A_50 = tpu.memref_slice %arg3[%dma_wait3A_48, %dma_wait3A_49] : memref<100000x128xf32, #tpu.memory_space<hbm>> -> memref<100000x128xf32, #tpu.memory_space<hbm>>
    tpu.wait_indirect_dma semaphore(%arg13 : memref<!tpu.dma_semaphore, #tpu.memory_space<semaphore_mem>>) src(%dma_wait3A_50 : memref<100000x128xf32, #tpu.memory_space<hbm>>) dst(%arg7 : memref<128x128xf32, #tpu.memory_space<vmem>>)
    %scan3A_51 = arith.constant 0 : i32
    %scan3A_52 = arith.constant 0 : i32
    %scan3A_53 = arith.constant 128 : i32
    %scan3A_54 = arith.addi %scan3A_52, %scan3A_53 : i32
    %scan3A_55 = arith.constant 1 : i32
    %scan3A_56 = scf.for %scan3A_124 = %scan3A_52 to %scan3A_54 step %scan3A_55 iter_args(%scan3A_125 = %scan3A_51) -> (i32)  : i32 {
      %get3A = arith.index_cast %scan3A_124 : i32 to index
      %get3A_126 = arith.constant 0 : index
      %get3A_127 = tpu.vector_load %arg7[%get3A, %get3A_126] {strides = array<i32>} : memref<128x128xf32, #tpu.memory_space<vmem>>, vector<1x16xf32>,
      %get3A_128 = vector.shape_cast %get3A_127 : vector<1x16xf32> to vector<16xf32>
      %mul3A_129 = arith.constant 11.3137083 : f32
      %mul3A_130 = vector.broadcast %mul3A_129 : f32 to vector<16xf32>
      %mul3A_131 = arith.mulf %get3A_128, %mul3A_130 : vector<16xf32>
      %swap3A = arith.index_cast %scan3A_124 : i32 to index
      %swap3A_132 = arith.constant 0 : index
      %swap3A_133 = tpu.vector_load %arg9[%swap3A, %swap3A_132] {strides = array<i32>} : memref<128x128xf32, #tpu.memory_space<vmem>>, vector<1x16xf32>,
      %swap3A_134 = vector.shape_cast %swap3A_133 : vector<1x16xf32> to vector<16xf32>
      %swap3A_135 = vector.shape_cast %mul3A_131 : vector<16xf32> to vector<1x16xf32>
      tpu.vector_store %arg9[%swap3A, %swap3A_132], %swap3A_135 {add = true, strides = array<i32>} : memref<128x128xf32, #tpu.memory_space<vmem>>, vector<1x16xf32>,
      %get3A_136 = arith.index_cast %scan3A_124 : i32 to index
      %get3A_137 = arith.constant 16 : index
      %get3A_138 = tpu.vector_load %arg7[%get3A_136, %get3A_137] {strides = array<i32>} : memref<128x128xf32, #tpu.memory_space<vmem>>, vector<1x16xf32>,
      %get3A_139 = vector.shape_cast %get3A_138 : vector<1x16xf32> to vector<16xf32>
      %mul3A_140 = arith.constant 11.3137083 : f32
      %mul3A_141 = vector.broadcast %mul3A_140 : f32 to vector<16xf32>
      %mul3A_142 = arith.mulf %get3A_139, %mul3A_141 : vector<16xf32>
      %swap3A_143 = arith.index_cast %scan3A_124 : i32 to index
      %swap3A_144 = arith.constant 16 : index
      %swap3A_145 = tpu.vector_load %arg9[%swap3A_143, %swap3A_144] {strides = array<i32>} : memref<128x128xf32, #tpu.memory_space<vmem>>, vector<1x16xf32>,
      %swap3A_146 = vector.shape_cast %swap3A_145 : vector<1x16xf32> to vector<16xf32>
      %swap3A_147 = vector.shape_cast %mul3A_142 : vector<16xf32> to vector<1x16xf32>
      tpu.vector_store %arg9[%swap3A_143, %swap3A_144], %swap3A_147 {add = true, strides = array<i32>} : memref<128x128xf32, #tpu.memory_space<vmem>>, vector<1x16xf32>,
      %get3A_148 = arith.index_cast %scan3A_124 : i32 to index
      %get3A_149 = arith.constant 32 : index
      %get3A_150 = tpu.vector_load %arg7[%get3A_148, %get3A_149] {strides = array<i32>} : memref<128x128xf32, #tpu.memory_space<vmem>>, vector<1x16xf32>,
      %get3A_151 = vector.shape_cast %get3A_150 : vector<1x16xf32> to vector<16xf32>
      %mul3A_152 = arith.constant 11.3137083 : f32
      %mul3A_153 = vector.broadcast %mul3A_152 : f32 to vector<16xf32>
      %mul3A_154 = arith.mulf %get3A_151, %mul3A_153 : vector<16xf32>
      %swap3A_155 = arith.index_cast %scan3A_124 : i32 to index
      %swap3A_156 = arith.constant 32 : index
      %swap3A_157 = tpu.vector_load %arg9[%swap3A_155, %swap3A_156] {strides = array<i32>} : memref<128x128xf32, #tpu.memory_space<vmem>>, vector<1x16xf32>,
      %swap3A_158 = vector.shape_cast %swap3A_157 : vector<1x16xf32> to vector<16xf32>
      %swap3A_159 = vector.shape_cast %mul3A_154 : vector<16xf32> to vector<1x16xf32>
      tpu.vector_store %arg9[%swap3A_155, %swap3A_156], %swap3A_159 {add = true, strides = array<i32>} : memref<128x128xf32, #tpu.memory_space<vmem>>, vector<1x16xf32>,
      %get3A_160 = arith.index_cast %scan3A_124 : i32 to index
      %get3A_161 = arith.constant 48 : index
      %get3A_162 = tpu.vector_load %arg7[%get3A_160, %get3A_161] {strides = array<i32>} : memref<128x128xf32, #tpu.memory_space<vmem>>, vector<1x16xf32>,
      %get3A_163 = vector.shape_cast %get3A_162 : vector<1x16xf32> to vector<16xf32>
      %mul3A_164 = arith.constant 11.3137083 : f32
      %mul3A_165 = vector.broadcast %mul3A_164 : f32 to vector<16xf32>
      %mul3A_166 = arith.mulf %get3A_163, %mul3A_165 : vector<16xf32>
      %swap3A_167 = arith.index_cast %scan3A_124 : i32 to index
      %swap3A_168 = arith.constant 48 : index
      %swap3A_169 = tpu.vector_load %arg9[%swap3A_167, %swap3A_168] {strides = array<i32>} : memref<128x128xf32, #tpu.memory_space<vmem>>, vector<1x16xf32>,
      %swap3A_170 = vector.shape_cast %swap3A_169 : vector<1x16xf32> to vector<16xf32>
      %swap3A_171 = vector.shape_cast %mul3A_166 : vector<16xf32> to vector<1x16xf32>
      tpu.vector_store %arg9[%swap3A_167, %swap3A_168], %swap3A_171 {add = true, strides = array<i32>} : memref<128x128xf32, #tpu.memory_space<vmem>>, vector<1x16xf32>,
      %get3A_172 = arith.index_cast %scan3A_124 : i32 to index
      %get3A_173 = arith.constant 64 : index
      %get3A_174 = tpu.vector_load %arg7[%get3A_172, %get3A_173] {strides = array<i32>} : memref<128x128xf32, #tpu.memory_space<vmem>>, vector<1x16xf32>,
      %get3A_175 = vector.shape_cast %get3A_174 : vector<1x16xf32> to vector<16xf32>
      %mul3A_176 = arith.constant 11.3137083 : f32
      %mul3A_177 = vector.broadcast %mul3A_176 : f32 to vector<16xf32>
      %mul3A_178 = arith.mulf %get3A_175, %mul3A_177 : vector<16xf32>
      %swap3A_179 = arith.index_cast %scan3A_124 : i32 to index
      %swap3A_180 = arith.constant 64 : index
      %swap3A_181 = tpu.vector_load %arg9[%swap3A_179, %swap3A_180] {strides = array<i32>} : memref<128x128xf32, #tpu.memory_space<vmem>>, vector<1x16xf32>,
      %swap3A_182 = vector.shape_cast %swap3A_181 : vector<1x16xf32> to vector<16xf32>
      %swap3A_183 = vector.shape_cast %mul3A_178 : vector<16xf32> to vector<1x16xf32>
      tpu.vector_store %arg9[%swap3A_179, %swap3A_180], %swap3A_183 {add = true, strides = array<i32>} : memref<128x128xf32, #tpu.memory_space<vmem>>, vector<1x16xf32>,
      %get3A_184 = arith.index_cast %scan3A_124 : i32 to index
      %get3A_185 = arith.constant 80 : index
      %get3A_186 = tpu.vector_load %arg7[%get3A_184, %get3A_185] {strides = array<i32>} : memref<128x128xf32, #tpu.memory_space<vmem>>, vector<1x16xf32>,
      %get3A_187 = vector.shape_cast %get3A_186 : vector<1x16xf32> to vector<16xf32>
      %mul3A_188 = arith.constant 11.3137083 : f32
      %mul3A_189 = vector.broadcast %mul3A_188 : f32 to vector<16xf32>
      %mul3A_190 = arith.mulf %get3A_187, %mul3A_189 : vector<16xf32>
      %swap3A_191 = arith.index_cast %scan3A_124 : i32 to index
      %swap3A_192 = arith.constant 80 : index
      %swap3A_193 = tpu.vector_load %arg9[%swap3A_191, %swap3A_192] {strides = array<i32>} : memref<128x128xf32, #tpu.memory_space<vmem>>, vector<1x16xf32>,
      %swap3A_194 = vector.shape_cast %swap3A_193 : vector<1x16xf32> to vector<16xf32>
      %swap3A_195 = vector.shape_cast %mul3A_190 : vector<16xf32> to vector<1x16xf32>
      tpu.vector_store %arg9[%swap3A_191, %swap3A_192], %swap3A_195 {add = true, strides = array<i32>} : memref<128x128xf32, #tpu.memory_space<vmem>>, vector<1x16xf32>,
      %get3A_196 = arith.index_cast %scan3A_124 : i32 to index
      %get3A_197 = arith.constant 96 : index
      %get3A_198 = tpu.vector_load %arg7[%get3A_196, %get3A_197] {strides = array<i32>} : memref<128x128xf32, #tpu.memory_space<vmem>>, vector<1x16xf32>,
      %get3A_199 = vector.shape_cast %get3A_198 : vector<1x16xf32> to vector<16xf32>
      %mul3A_200 = arith.constant 11.3137083 : f32
      %mul3A_201 = vector.broadcast %mul3A_200 : f32 to vector<16xf32>
      %mul3A_202 = arith.mulf %get3A_199, %mul3A_201 : vector<16xf32>
      %swap3A_203 = arith.index_cast %scan3A_124 : i32 to index
      %swap3A_204 = arith.constant 96 : index
      %swap3A_205 = tpu.vector_load %arg9[%swap3A_203, %swap3A_204] {strides = array<i32>} : memref<128x128xf32, #tpu.memory_space<vmem>>, vector<1x16xf32>,
      %swap3A_206 = vector.shape_cast %swap3A_205 : vector<1x16xf32> to vector<16xf32>
      %swap3A_207 = vector.shape_cast %mul3A_202 : vector<16xf32> to vector<1x16xf32>
      tpu.vector_store %arg9[%swap3A_203, %swap3A_204], %swap3A_207 {add = true, strides = array<i32>} : memref<128x128xf32, #tpu.memory_space<vmem>>, vector<1x16xf32>,
      %get3A_208 = arith.index_cast %scan3A_124 : i32 to index
      %get3A_209 = arith.constant 112 : index
      %get3A_210 = tpu.vector_load %arg7[%get3A_208, %get3A_209] {strides = array<i32>} : memref<128x128xf32, #tpu.memory_space<vmem>>, vector<1x16xf32>,
      %get3A_211 = vector.shape_cast %get3A_210 : vector<1x16xf32> to vector<16xf32>
      %mul3A_212 = arith.constant 11.3137083 : f32
      %mul3A_213 = vector.broadcast %mul3A_212 : f32 to vector<16xf32>
      %mul3A_214 = arith.mulf %get3A_211, %mul3A_213 : vector<16xf32>
      %swap3A_215 = arith.index_cast %scan3A_124 : i32 to index
      %swap3A_216 = arith.constant 112 : index
      %swap3A_217 = tpu.vector_load %arg9[%swap3A_215, %swap3A_216] {strides = array<i32>} : memref<128x128xf32, #tpu.memory_space<vmem>>, vector<1x16xf32>,
      %swap3A_218 = vector.shape_cast %swap3A_217 : vector<1x16xf32> to vector<16xf32>
      %swap3A_219 = vector.shape_cast %mul3A_214 : vector<16xf32> to vector<1x16xf32>
      tpu.vector_store %arg9[%swap3A_215, %swap3A_216], %swap3A_219 {add = true, strides = array<i32>} : memref<128x128xf32, #tpu.memory_space<vmem>>, vector<1x16xf32>,
      %scan3A_220 = arith.constant 0 : i32
      scf.yield %scan3A_220 : i32
    }
    %scan3A_57 = arith.constant 128 : i32
    %add3A_58 = arith.constant 48 : i32
    %add3A_59 = arith.addi %mul3A_2, %add3A_58 : i32
    %mul3A_60 = arith.constant 128 : i32
    %mul3A_61 = arith.muli %add3A_59, %mul3A_60 : i32
    %dma_start3A_62 = arith.constant 0 : i32
    %dma_start3A_63 = tpu.memref_slice %arg5[%mul3A_61, %dma_start3A_62] : memref<204800x128xf32, #tpu.memory_space<hbm>> -> memref<128x128xf32, #tpu.memory_space<hbm>>
    %dma_start3A_64 = arith.constant 0 : i32
    %dma_start3A_65 = tpu.memref_slice %arg5[%mul3A_61, %dma_start3A_64] : memref<204800x128xf32, #tpu.memory_space<hbm>> -> memref<128x128xf32, #tpu.memory_space<hbm>>
    tpu.enqueue_dma source(%arg9 : memref<128x128xf32, #tpu.memory_space<vmem>>) target(%dma_start3A_65 : memref<128x128xf32, #tpu.memory_space<hbm>>) target_semaphore(%arg15 : memref<!tpu.dma_semaphore, #tpu.memory_space<semaphore_mem>>)
    %and3A_66 = arith.constant false
    %and3A_67 = arith.constant true
    %and3A_68 = arith.andi %and3A_66, %and3A_67 : i1
    %convert_element_type3A_69 = arith.extui %and3A_68 : i1 to i32
    %cond3A_70 = arith.constant 0 : i32
    %cond3A_71 = arith.cmpi ne, %convert_element_type3A_69, %cond3A_70 : i32
    scf.if %cond3A_71 {
      %dma_wait3A_124 = arith.constant 0 : i32
      %dma_wait3A_125 = arith.constant 0 : i32
      %dma_wait3A_126 = tpu.memref_slice %arg5[%dma_wait3A_124, %dma_wait3A_125] : memref<204800x128xf32, #tpu.memory_space<hbm>> -> memref<128x128xf32, #tpu.memory_space<hbm>>
      %dma_wait3A_127 = arith.constant 0 : i32
      %dma_wait3A_128 = arith.constant 0 : i32
      %dma_wait3A_129 = tpu.memref_slice %arg5[%dma_wait3A_127, %dma_wait3A_128] : memref<204800x128xf32, #tpu.memory_space<hbm>> -> memref<128x128xf32, #tpu.memory_space<hbm>>
      tpu.wait_dma2 semaphore(%arg18 : memref<!tpu.dma_semaphore, #tpu.memory_space<semaphore_mem>>) src(%arg12 : memref<128x128xf32, #tpu.memory_space<vmem>>) dst(%dma_wait3A_129 : memref<128x128xf32, #tpu.memory_space<hbm>>)
    } else {
    }
    %dma_wait3A_72 = arith.constant 0 : i32
    %dma_wait3A_73 = arith.constant 0 : i32
    %dma_wait3A_74 = tpu.memref_slice %arg4[%dma_wait3A_72, %dma_wait3A_73] : memref<328x128xf32, #tpu.memory_space<hbm>> -> memref<128x128xf32, #tpu.memory_space<hbm>>
    %dma_wait3A_75 = arith.constant 0 : i32
    %dma_wait3A_76 = arith.constant 0 : i32
    %dma_wait3A_77 = tpu.memref_slice %arg4[%dma_wait3A_75, %dma_wait3A_76] : memref<328x128xf32, #tpu.memory_space<hbm>> -> memref<128x128xf32, #tpu.memory_space<hbm>>
    tpu.wait_dma2 semaphore(%arg20 : memref<!tpu.dma_semaphore, #tpu.memory_space<semaphore_mem>>) src(%dma_wait3A_77 : memref<128x128xf32, #tpu.memory_space<hbm>>) dst(%arg10 : memref<128x128xf32, #tpu.memory_space<vmem>>)
    %dma_wait3A_78 = arith.constant 49 : i32
    %dma_wait3A_79 = arith.constant 0 : i32
    %dma_wait3A_80 = tpu.memref_slice %arg6[%dma_wait3A_78, %dma_wait3A_79] : memref<50x128xi32, #tpu.memory_space<vmem>> -> memref<1x128xi32, #tpu.memory_space<vmem>>
    %dma_wait3A_81 = tpu.memref_squeeze %dma_wait3A_80 : memref<1x128xi32, #tpu.memory_space<vmem>> -> memref<128xi32, #tpu.memory_space<vmem>>
    %dma_wait3A_82 = arith.constant 0 : i32
    %dma_wait3A_83 = arith.constant 0 : i32
    %dma_wait3A_84 = tpu.memref_slice %arg3[%dma_wait3A_82, %dma_wait3A_83] : memref<100000x128xf32, #tpu.memory_space<hbm>> -> memref<100000x128xf32, #tpu.memory_space<hbm>>
    tpu.wait_indirect_dma semaphore(%arg14 : memref<!tpu.dma_semaphore, #tpu.memory_space<semaphore_mem>>) src(%dma_wait3A_84 : memref<100000x128xf32, #tpu.memory_space<hbm>>) dst(%arg8 : memref<128x128xf32, #tpu.memory_space<vmem>>)
    %scan3A_85 = arith.constant 0 : i32
    %scan3A_86 = arith.constant 0 : i32
    %scan3A_87 = arith.constant 128 : i32
    %scan3A_88 = arith.addi %scan3A_86, %scan3A_87 : i32
    %scan3A_89 = arith.constant 1 : i32
    %scan3A_90 = scf.for %scan3A_124 = %scan3A_86 to %scan3A_88 step %scan3A_89 iter_args(%scan3A_125 = %scan3A_85) -> (i32)  : i32 {
      %get3A = arith.index_cast %scan3A_124 : i32 to index
      %get3A_126 = arith.constant 0 : index
      %get3A_127 = tpu.vector_load %arg8[%get3A, %get3A_126] {strides = array<i32>} : memref<128x128xf32, #tpu.memory_space<vmem>>, vector<1x16xf32>,
      %get3A_128 = vector.shape_cast %get3A_127 : vector<1x16xf32> to vector<16xf32>
      %mul3A_129 = arith.constant 11.3137083 : f32
      %mul3A_130 = vector.broadcast %mul3A_129 : f32 to vector<16xf32>
      %mul3A_131 = arith.mulf %get3A_128, %mul3A_130 : vector<16xf32>
      %swap3A = arith.index_cast %scan3A_124 : i32 to index
      %swap3A_132 = arith.constant 0 : index
      %swap3A_133 = tpu.vector_load %arg10[%swap3A, %swap3A_132] {strides = array<i32>} : memref<128x128xf32, #tpu.memory_space<vmem>>, vector<1x16xf32>,
      %swap3A_134 = vector.shape_cast %swap3A_133 : vector<1x16xf32> to vector<16xf32>
      %swap3A_135 = vector.shape_cast %mul3A_131 : vector<16xf32> to vector<1x16xf32>
      tpu.vector_store %arg10[%swap3A, %swap3A_132], %swap3A_135 {add = true, strides = array<i32>} : memref<128x128xf32, #tpu.memory_space<vmem>>, vector<1x16xf32>,
      %get3A_136 = arith.index_cast %scan3A_124 : i32 to index
      %get3A_137 = arith.constant 16 : index
      %get3A_138 = tpu.vector_load %arg8[%get3A_136, %get3A_137] {strides = array<i32>} : memref<128x128xf32, #tpu.memory_space<vmem>>, vector<1x16xf32>,
      %get3A_139 = vector.shape_cast %get3A_138 : vector<1x16xf32> to vector<16xf32>
      %mul3A_140 = arith.constant 11.3137083 : f32
      %mul3A_141 = vector.broadcast %mul3A_140 : f32 to vector<16xf32>
      %mul3A_142 = arith.mulf %get3A_139, %mul3A_141 : vector<16xf32>
      %swap3A_143 = arith.index_cast %scan3A_124 : i32 to index
      %swap3A_144 = arith.constant 16 : index
      %swap3A_145 = tpu.vector_load %arg10[%swap3A_143, %swap3A_144] {strides = array<i32>} : memref<128x128xf32, #tpu.memory_space<vmem>>, vector<1x16xf32>,
      %swap3A_146 = vector.shape_cast %swap3A_145 : vector<1x16xf32> to vector<16xf32>
      %swap3A_147 = vector.shape_cast %mul3A_142 : vector<16xf32> to vector<1x16xf32>
      tpu.vector_store %arg10[%swap3A_143, %swap3A_144], %swap3A_147 {add = true, strides = array<i32>} : memref<128x128xf32, #tpu.memory_space<vmem>>, vector<1x16xf32>,
      %get3A_148 = arith.index_cast %scan3A_124 : i32 to index
      %get3A_149 = arith.constant 32 : index
      %get3A_150 = tpu.vector_load %arg8[%get3A_148, %get3A_149] {strides = array<i32>} : memref<128x128xf32, #tpu.memory_space<vmem>>, vector<1x16xf32>,
      %get3A_151 = vector.shape_cast %get3A_150 : vector<1x16xf32> to vector<16xf32>
      %mul3A_152 = arith.constant 11.3137083 : f32
      %mul3A_153 = vector.broadcast %mul3A_152 : f32 to vector<16xf32>
      %mul3A_154 = arith.mulf %get3A_151, %mul3A_153 : vector<16xf32>
      %swap3A_155 = arith.index_cast %scan3A_124 : i32 to index
      %swap3A_156 = arith.constant 32 : index
      %swap3A_157 = tpu.vector_load %arg10[%swap3A_155, %swap3A_156] {strides = array<i32>} : memref<128x128xf32, #tpu.memory_space<vmem>>, vector<1x16xf32>,
      %swap3A_158 = vector.shape_cast %swap3A_157 : vector<1x16xf32> to vector<16xf32>
      %swap3A_159 = vector.shape_cast %mul3A_154 : vector<16xf32> to vector<1x16xf32>
      tpu.vector_store %arg10[%swap3A_155, %swap3A_156], %swap3A_159 {add = true, strides = array<i32>} : memref<128x128xf32, #tpu.memory_space<vmem>>, vector<1x16xf32>,
      %get3A_160 = arith.index_cast %scan3A_124 : i32 to index
      %get3A_161 = arith.constant 48 : index
      %get3A_162 = tpu.vector_load %arg8[%get3A_160, %get3A_161] {strides = array<i32>} : memref<128x128xf32, #tpu.memory_space<vmem>>, vector<1x16xf32>,
      %get3A_163 = vector.shape_cast %get3A_162 : vector<1x16xf32> to vector<16xf32>
      %mul3A_164 = arith.constant 11.3137083 : f32
      %mul3A_165 = vector.broadcast %mul3A_164 : f32 to vector<16xf32>
      %mul3A_166 = arith.mulf %get3A_163, %mul3A_165 : vector<16xf32>
      %swap3A_167 = arith.index_cast %scan3A_124 : i32 to index
      %swap3A_168 = arith.constant 48 : index
      %swap3A_169 = tpu.vector_load %arg10[%swap3A_167, %swap3A_168] {strides = array<i32>} : memref<128x128xf32, #tpu.memory_space<vmem>>, vector<1x16xf32>,
      %swap3A_170 = vector.shape_cast %swap3A_169 : vector<1x16xf32> to vector<16xf32>
      %swap3A_171 = vector.shape_cast %mul3A_166 : vector<16xf32> to vector<1x16xf32>
      tpu.vector_store %arg10[%swap3A_167, %swap3A_168], %swap3A_171 {add = true, strides = array<i32>} : memref<128x128xf32, #tpu.memory_space<vmem>>, vector<1x16xf32>,
      %get3A_172 = arith.index_cast %scan3A_124 : i32 to index
      %get3A_173 = arith.constant 64 : index
      %get3A_174 = tpu.vector_load %arg8[%get3A_172, %get3A_173] {strides = array<i32>} : memref<128x128xf32, #tpu.memory_space<vmem>>, vector<1x16xf32>,
      %get3A_175 = vector.shape_cast %get3A_174 : vector<1x16xf32> to vector<16xf32>
      %mul3A_176 = arith.constant 11.3137083 : f32
      %mul3A_177 = vector.broadcast %mul3A_176 : f32 to vector<16xf32>
      %mul3A_178 = arith.mulf %get3A_175, %mul3A_177 : vector<16xf32>
      %swap3A_179 = arith.index_cast %scan3A_124 : i32 to index
      %swap3A_180 = arith.constant 64 : index
      %swap3A_181 = tpu.vector_load %arg10[%swap3A_179, %swap3A_180] {strides = array<i32>} : memref<128x128xf32, #tpu.memory_space<vmem>>, vector<1x16xf32>,
      %swap3A_182 = vector.shape_cast %swap3A_181 : vector<1x16xf32> to vector<16xf32>
      %swap3A_183 = vector.shape_cast %mul3A_178 : vector<16xf32> to vector<1x16xf32>
      tpu.vector_store %arg10[%swap3A_179, %swap3A_180], %swap3A_183 {add = true, strides = array<i32>} : memref<128x128xf32, #tpu.memory_space<vmem>>, vector<1x16xf32>,
      %get3A_184 = arith.index_cast %scan3A_124 : i32 to index
      %get3A_185 = arith.constant 80 : index
      %get3A_186 = tpu.vector_load %arg8[%get3A_184, %get3A_185] {strides = array<i32>} : memref<128x128xf32, #tpu.memory_space<vmem>>, vector<1x16xf32>,
      %get3A_187 = vector.shape_cast %get3A_186 : vector<1x16xf32> to vector<16xf32>
      %mul3A_188 = arith.constant 11.3137083 : f32
      %mul3A_189 = vector.broadcast %mul3A_188 : f32 to vector<16xf32>
      %mul3A_190 = arith.mulf %get3A_187, %mul3A_189 : vector<16xf32>
      %swap3A_191 = arith.index_cast %scan3A_124 : i32 to index
      %swap3A_192 = arith.constant 80 : index
      %swap3A_193 = tpu.vector_load %arg10[%swap3A_191, %swap3A_192] {strides = array<i32>} : memref<128x128xf32, #tpu.memory_space<vmem>>, vector<1x16xf32>,
      %swap3A_194 = vector.shape_cast %swap3A_193 : vector<1x16xf32> to vector<16xf32>
      %swap3A_195 = vector.shape_cast %mul3A_190 : vector<16xf32> to vector<1x16xf32>
      tpu.vector_store %arg10[%swap3A_191, %swap3A_192], %swap3A_195 {add = true, strides = array<i32>} : memref<128x128xf32, #tpu.memory_space<vmem>>, vector<1x16xf32>,
      %get3A_196 = arith.index_cast %scan3A_124 : i32 to index
      %get3A_197 = arith.constant 96 : index
      %get3A_198 = tpu.vector_load %arg8[%get3A_196, %get3A_197] {strides = array<i32>} : memref<128x128xf32, #tpu.memory_space<vmem>>, vector<1x16xf32>,
      %get3A_199 = vector.shape_cast %get3A_198 : vector<1x16xf32> to vector<16xf32>
      %mul3A_200 = arith.constant 11.3137083 : f32
      %mul3A_201 = vector.broadcast %mul3A_200 : f32 to vector<16xf32>
      %mul3A_202 = arith.mulf %get3A_199, %mul3A_201 : vector<16xf32>
      %swap3A_203 = arith.index_cast %scan3A_124 : i32 to index
      %swap3A_204 = arith.constant 96 : index
      %swap3A_205 = tpu.vector_load %arg10[%swap3A_203, %swap3A_204] {strides = array<i32>} : memref<128x128xf32, #tpu.memory_space<vmem>>, vector<1x16xf32>,
      %swap3A_206 = vector.shape_cast %swap3A_205 : vector<1x16xf32> to vector<16xf32>
      %swap3A_207 = vector.shape_cast %mul3A_202 : vector<16xf32> to vector<1x16xf32>
      tpu.vector_store %arg10[%swap3A_203, %swap3A_204], %swap3A_207 {add = true, strides = array<i32>} : memref<128x128xf32, #tpu.memory_space<vmem>>, vector<1x16xf32>,
      %get3A_208 = arith.index_cast %scan3A_124 : i32 to index
      %get3A_209 = arith.constant 112 : index
      %get3A_210 = tpu.vector_load %arg8[%get3A_208, %get3A_209] {strides = array<i32>} : memref<128x128xf32, #tpu.memory_space<vmem>>, vector<1x16xf32>,
      %get3A_211 = vector.shape_cast %get3A_210 : vector<1x16xf32> to vector<16xf32>
      %mul3A_212 = arith.constant 11.3137083 : f32
      %mul3A_213 = vector.broadcast %mul3A_212 : f32 to vector<16xf32>
      %mul3A_214 = arith.mulf %get3A_211, %mul3A_213 : vector<16xf32>
      %swap3A_215 = arith.index_cast %scan3A_124 : i32 to index
      %swap3A_216 = arith.constant 112 : index
      %swap3A_217 = tpu.vector_load %arg10[%swap3A_215, %swap3A_216] {strides = array<i32>} : memref<128x128xf32, #tpu.memory_space<vmem>>, vector<1x16xf32>,
      %swap3A_218 = vector.shape_cast %swap3A_217 : vector<1x16xf32> to vector<16xf32>
      %swap3A_219 = vector.shape_cast %mul3A_214 : vector<16xf32> to vector<1x16xf32>
      tpu.vector_store %arg10[%swap3A_215, %swap3A_216], %swap3A_219 {add = true, strides = array<i32>} : memref<128x128xf32, #tpu.memory_space<vmem>>, vector<1x16xf32>,
      %scan3A_220 = arith.constant 0 : i32
      scf.yield %scan3A_220 : i32
    }
    %scan3A_91 = arith.constant 128 : i32
    %add3A_92 = arith.constant 49 : i32
    %add3A_93 = arith.addi %mul3A_2, %add3A_92 : i32
    %mul3A_94 = arith.constant 128 : i32
    %mul3A_95 = arith.muli %add3A_93, %mul3A_94 : i32
    %dma_start3A_96 = arith.constant 0 : i32
    %dma_start3A_97 = tpu.memref_slice %arg5[%mul3A_95, %dma_start3A_96] : memref<204800x128xf32, #tpu.memory_space<hbm>> -> memref<128x128xf32, #tpu.memory_space<hbm>>
    %dma_start3A_98 = arith.constant 0 : i32
    %dma_start3A_99 = tpu.memref_slice %arg5[%mul3A_95, %dma_start3A_98] : memref<204800x128xf32, #tpu.memory_space<hbm>> -> memref<128x128xf32, #tpu.memory_space<hbm>>
    tpu.enqueue_dma source(%arg10 : memref<128x128xf32, #tpu.memory_space<vmem>>) target(%dma_start3A_99 : memref<128x128xf32, #tpu.memory_space<hbm>>) target_semaphore(%arg16 : memref<!tpu.dma_semaphore, #tpu.memory_space<semaphore_mem>>)
    %dma_wait3A_100 = arith.constant 0 : i32
    %dma_wait3A_101 = arith.constant 0 : i32
    %dma_wait3A_102 = tpu.memref_slice %arg5[%dma_wait3A_100, %dma_wait3A_101] : memref<204800x128xf32, #tpu.memory_space<hbm>> -> memref<128x128xf32, #tpu.memory_space<hbm>>
    %dma_wait3A_103 = arith.constant 0 : i32
    %dma_wait3A_104 = arith.constant 0 : i32
    %dma_wait3A_105 = tpu.memref_slice %arg5[%dma_wait3A_103, %dma_wait3A_104] : memref<204800x128xf32, #tpu.memory_space<hbm>> -> memref<128x128xf32, #tpu.memory_space<hbm>>
    tpu.wait_dma2 semaphore(%arg15 : memref<!tpu.dma_semaphore, #tpu.memory_space<semaphore_mem>>) src(%arg9 : memref<128x128xf32, #tpu.memory_space<vmem>>) dst(%dma_wait3A_105 : memref<128x128xf32, #tpu.memory_space<hbm>>)
    %dma_wait3A_106 = arith.constant 0 : i32
    %dma_wait3A_107 = arith.constant 0 : i32
    %dma_wait3A_108 = tpu.memref_slice %arg5[%dma_wait3A_106, %dma_wait3A_107] : memref<204800x128xf32, #tpu.memory_space<hbm>> -> memref<128x128xf32, #tpu.memory_space<hbm>>
    %dma_wait3A_109 = arith.constant 0 : i32
    %dma_wait3A_110 = arith.constant 0 : i32
    %dma_wait3A_111 = tpu.memref_slice %arg5[%dma_wait3A_109, %dma_wait3A_110] : memref<204800x128xf32, #tpu.memory_space<hbm>> -> memref<128x128xf32, #tpu.memory_space<hbm>>
    tpu.wait_dma2 semaphore(%arg16 : memref<!tpu.dma_semaphore, #tpu.memory_space<semaphore_mem>>) src(%arg10 : memref<128x128xf32, #tpu.memory_space<vmem>>) dst(%dma_wait3A_111 : memref<128x128xf32, #tpu.memory_space<hbm>>)
    %dma_wait3A_112 = arith.constant 0 : i32
    %dma_wait3A_113 = arith.constant 0 : i32
    %dma_wait3A_114 = tpu.memref_slice %arg5[%dma_wait3A_112, %dma_wait3A_113] : memref<204800x128xf32, #tpu.memory_space<hbm>> -> memref<128x128xf32, #tpu.memory_space<hbm>>
    %dma_wait3A_115 = arith.constant 0 : i32
    %dma_wait3A_116 = arith.constant 0 : i32
    %dma_wait3A_117 = tpu.memref_slice %arg5[%dma_wait3A_115, %dma_wait3A_116] : memref<204800x128xf32, #tpu.memory_space<hbm>> -> memref<128x128xf32, #tpu.memory_space<hbm>>
    tpu.wait_dma2 semaphore(%arg17 : memref<!tpu.dma_semaphore, #tpu.memory_space<semaphore_mem>>) src(%arg11 : memref<128x128xf32, #tpu.memory_space<vmem>>) dst(%dma_wait3A_117 : memref<128x128xf32, #tpu.memory_space<hbm>>)
    %dma_wait3A_118 = arith.constant 0 : i32
    %dma_wait3A_119 = arith.constant 0 : i32
    %dma_wait3A_120 = tpu.memref_slice %arg5[%dma_wait3A_118, %dma_wait3A_119] : memref<204800x128xf32, #tpu.memory_space<hbm>> -> memref<128x128xf32, #tpu.memory_space<hbm>>
    %dma_wait3A_121 = arith.constant 0 : i32
    %dma_wait3A_122 = arith.constant 0 : i32
    %dma_wait3A_123 = tpu.memref_slice %arg5[%dma_wait3A_121, %dma_wait3A_122] : memref<204800x128xf32, #tpu.memory_space<hbm>> -> memref<128x128xf32, #tpu.memory_space<hbm>>
    tpu.wait_dma2 semaphore(%arg18 : memref<!tpu.dma_semaphore, #tpu.memory_space<semaphore_mem>>) src(%arg12 : memref<128x128xf32, #tpu.memory_space<vmem>>) dst(%dma_wait3A_123 : memref<128x128xf32, #tpu.memory_space<hbm>>)
    return
  }
}

</mosaic_0001>

<sc_bundles>
// kernel: kernel.3.cloned.1.call-start
scs
__scs_entry_jumppad:
0x0: {  	(pc) =	sbr.rel $0x88, $3  }
0x1: {  	(tag) =	ssettag $0x0;
	lr =	simm.s32 $0x1  }
0x2: {  	[smem:$0x3F9F] =	sst lr;
	_ =	strace $0xD0000000  }
0x3: {  	_ = 	snop  }
0x4: {  	_ = 	snop  }
0x5: {  	_ = 	snop  }
0x6: {  	_ = 	snop  }
0x7: {  	_ = 	snop  }
__scs_overlays_trampoline_lowered:
0x8: {  	[smem:$0x3FAE] =	sst s0  }
0x9: {  	[smem:$0x3FAF] =	sst s1  }
0xa: {  	[smem:$0x3FB0] =	sst s2  }
0xb: {  	[smem:$0x3FB1] =	sst s3  }
0xc: {  	[smem:$0x3FB2] =	sst s4  }
0xd: {  	[smem:$0x3FB3] =	sst s5  }
0xe: {  	[smem:$0x3FB4] =	sst s6  }
0xf: {  	[smem:$0x3FB5] =	sst s7  }
0x10: {  	[smem:$0x3FB6] =	sst s8  }
0x11: {  	[smem:$0x3FB7] =	sst s9;
	s0 =	simm.s32 @!p0 $0x0  }
0x12: {  	s1 =	sld [smem:$0x3F9D];
	s0 =	simm.s32 @p0 $0x1  }
0x13: {  	[smem:$0x3FB8] =	sst s0;
	s0 =	simm.s32 @!p1 $0x0  }
0x14: {  	s2 =	sld [smem:$0x3F9C];
	s0 =	simm.s32 @p1 $0x1  }
0x15: {  	[smem:$0x3FB9] =	sst s0;
	s0 =	simm.s32 @!p2 $0x0  }
0x16: {  	s3 =	sld [smem:$0x3FDB];
	s0 =	simm.s32 @p2 $0x1  }
0x17: {  	s4 =	simm.s32 $0x1BF5;
	[smem:$0x3FBB] =	sst s0  }
0x18: {  	s0 =	sld [smem:$0x3F9E];
	_ =	swait.ge [sflag:s4], $0x0  }
0x19: {  	s7 =	sld [smem:$0x3F9F]  }
0x1a: {  	s8 =	sadd.s32 $0xFFFFE003, lr  }
0x1b: {  	s9 =	sadd.s32 $0xFFFFFEF7, lr;
	s5 =	simm.s32 $0xFFFFFFFF;
	p2 =	slt.u32 s8, $0xFFFFF086  }
0x1c: {  	p1 =	slt.u32 s9, $0xF7A;
	s5 =	simm.s32 @!p2 $0x0  }
0x1d: {  	s5 =	simm.s32 @p1 $0x1;
	p0 =	seq.s32 s7, s2  }
0x1e: {  	s7 =	smul.u32 @!p0 $0xF7A, s2;
	p2 =	seq.s32 @!p0 s5, $0x0  }
0x1f: {  	s9 =	smul.u32 $0xF7A, s1;
	s8 =	simm.s32 @!p0 $0x1BF5;
	p2 =	por !p2, p0  }
0x20: {  	[sflag:s8] =	ssyncset.s32 @!p0 $0xFFFFF086;
	s6 =	sadd.s32 @!p0 s3, s7;
	s7 =	simm.s32 @!p0 $0x108  }
0x21: {  	s3 =	sadd.s32 s3, s9;
	s6 =	sadd.s32 @!p0 $0x88, s6;
	s7 =	simm.s32 @p2 $0x1082  }
0x22: {  	[simem:s7], [sflag:s8] =	dma.local @!p0 [hbm:s6], $0xF7A  }
0x23: {  	s9 =	sor.u32 $0xD0000000, s2;
	s6 =	simm.s32 $0x108;
	_ =	swait.ge @!p0 [sflag:s8], $0x0  }
0x24: {  	s3 =	sadd.s32 $0x88, s3;
	s6 =	simm.s32 @!p1 $0x1082;
	[sflag:s4] =	ssyncset.s32 $0xFFFFF086  }
0x25: {  	[simem:s6], [sflag:s4] =	dma.local [hbm:s3], $0xF7A  }
0x26: {  	[smem:$0x3F9F] =	sst s1;
	(tag) =	ssettag s2;
	_ =	strace s9  }
0x27: {  	s1 =	sld [smem:$0x3FAF]  }
0x28: {  	s2 =	sld [smem:$0x3FB0]  }
0x29: {  	s4 =	sld [smem:$0x3FB2]  }
0x2a: {  	p0 =	seq.s32 s5, $0x0;
	s5 =	sld [smem:$0x3FB3]  }
0x2b: {  	s6 =	sld [smem:$0x3FB4]  }
0x2c: {  	s7 =	sld [smem:$0x3FB5]  }
0x2d: {  	s3 =	simm.s32 $0x108;
	s8 =	sld [smem:$0x3FB6]  }
0x2e: {  	s3 =	simm.s32 @!p0 $0x1082;
	s9 =	sld [smem:$0x3FB7]  }
0x2f: {  	lr =	sadd.s32 s0, s3;
	s0 =	sld [smem:$0x3FAE]  }
0x30: {  	s3 =	sld [smem:$0x3FB1]  }
0x31: {  	[smem:$0x3FBA] =	sst s10  }
0x32: {  	s10 =	sld [smem:$0x3FB8];
	_ =	sdelay $0x3  }
0x33: {  	p0 =	seq.s32 s10, $0x1;
	s10 =	sld [smem:$0x3FBA];
	_ =	sdelay $0x3  }
0x34: {  	[smem:$0x3FBA] =	sst s10  }
0x35: {  	s10 =	sld [smem:$0x3FB9];
	_ =	sdelay $0x3  }
0x36: {  	p1 =	seq.s32 s10, $0x1;
	s10 =	sld [smem:$0x3FBA];
	_ =	sdelay $0x3  }
0x37: {  	[smem:$0x3FBA] =	sst s10  }
0x38: {  	s10 =	sld [smem:$0x3FBB]  }
0x39: {  	_ = 	snop;
	(pc) =	sbr.ind lr, $3  }
0x3a: {  	_ = 	snop  }
0x3b: {  	_ = 	snop  }
0x3c: {  	p2 =	seq.s32 s10, $0x1;
	s10 =	sld [smem:$0x3FBA]  }
0x3d: {  	_ =	shalt  }
0x3e: {  	_ =	shalt  }
0x3f: {  	_ =	shalt  }
0x40: {  	_ =	shalt  }
0x41: {  	_ =	shalt  }
0x42: {  	_ =	shalt  }
0x43: {  	_ =	shalt  }
0x44: {  	_ =	shalt  }
0x45: {  	_ =	shalt  }
0x46: {  	_ =	shalt  }
0x47: {  	_ =	shalt  }
0x48: {  	_ =	shalt  }
0x49: {  	_ =	shalt  }
0x4a: {  	_ =	shalt  }
0x4b: {  	_ =	shalt  }
0x4c: {  	_ =	shalt  }
0x4d: {  	_ =	shalt  }
0x4e: {  	_ =	shalt  }
0x4f: {  	_ =	shalt  }
0x50: {  	_ =	shalt  }
0x51: {  	_ =	shalt  }
0x52: {  	_ =	shalt  }
0x53: {  	_ =	shalt  }
0x54: {  	_ =	shalt  }
0x55: {  	_ =	shalt  }
0x56: {  	_ =	shalt  }
0x57: {  	_ =	shalt  }
0x58: {  	_ =	shalt  }
0x59: {  	_ =	shalt  }
0x5a: {  	_ =	shalt  }
0x5b: {  	_ =	shalt  }
0x5c: {  	_ =	shalt  }
0x5d: {  	_ =	shalt  }
0x5e: {  	_ =	shalt  }
0x5f: {  	_ =	shalt  }
0x60: {  	_ =	shalt  }
0x61: {  	_ =	shalt  }
0x62: {  	_ =	shalt  }
0x63: {  	_ =	shalt  }
0x64: {  	_ =	shalt  }
0x65: {  	_ =	shalt  }
0x66: {  	_ =	shalt  }
0x67: {  	_ =	shalt  }
0x68: {  	_ =	shalt  }
0x69: {  	_ =	shalt  }
0x6a: {  	_ =	shalt  }
0x6b: {  	_ =	shalt  }
0x6c: {  	_ =	shalt  }
0x6d: {  	_ =	shalt  }
0x6e: {  	_ =	shalt  }
0x6f: {  	_ =	shalt  }
0x70: {  	_ =	shalt  }
0x71: {  	_ =	shalt  }
0x72: {  	_ =	shalt  }
0x73: {  	_ =	shalt  }
0x74: {  	_ =	shalt  }
0x75: {  	_ =	shalt  }
0x76: {  	_ =	shalt  }
0x77: {  	_ =	shalt  }
0x78: {  	_ =	shalt  }
0x79: {  	_ =	shalt  }
0x7a: {  	_ =	shalt  }
0x7b: {  	_ =	shalt  }
0x7c: {  	_ =	shalt  }
0x7d: {  	_ =	shalt  }
0x7e: {  	_ =	shalt  }
0x7f: {  	_ =	shalt  }
0x80: {  	_ =	shalt  }
0x81: {  	_ =	shalt  }
0x82: {  	_ =	shalt  }
0x83: {  	_ =	shalt  }
0x84: {  	_ =	shalt  }
0x85: {  	_ =	shalt  }
0x86: {  	_ =	shalt  }
0x87: {  	_ =	shalt  }
.Lfunc_end0:
.L_simem_size_0:
called_computation_lowered:
.L_overlay_start_0:
0x88: {  	s2 =	sld [smem:$0x3FD9]  }
0x89: {  	s3 =	sld [smem:$0x3FFE];
	_ =	sdelay $0x1  }
0x8a: {  	s1 =	srdreg.scid  }
0x8b: {  	s0 =	sand.u32 $0x1, s1  }
0x8c: {  	s17 =	sshll.u32 s0, $0xA;
	s2 =	sadd.s32 s3, s2  }
0x8d: {  	s2 =	sadd.s32 s2, s17  }
0x8e: {  	[smem:$0x3FC6] =	sst s2  }
0x8f: {  	_ = 	snop  }
0x90: {  	s2 =	sld [smem:$0x3FC8]  }
0x91: {  	s18 =	sld [smem:$0x3FD0];
	(tm) =	ssettm $0x1  }
0x92: {  	s4 =	sld [smem:$0x3FFB];
	_ =	sdelay $0x3  }
0x93: {  	_ =	strace s4  }
0x94: {  	s4 =	sld [smem:$0x3FFC];
	_ =	sdelay $0x3  }
0x95: {  	_ =	strace s4  }
0x96: {  	s4 =	sld [smem:$0x3FFD];
	_ =	sdelay $0x3  }
0x97: {  	_ =	strace s4  }
0x98: {  	_ =	strace $0x8FFFFFFF  }
0x99: {  	s19 =	sld [smem:$0x3FDB];
	_ =	sdelay $0x1  }
0x9a: {  	s5 =	simm.s32 $_scs_section_size  }
0x9b: {  	s6 =	simm.s32 $_size__tile_overlayer_lowered;
	s7 =	simm.s32 $_tile_overlayer_lowered  }
0x9c: {  	s22 =	simm.s32 $0x1BFF;
	s21 =	sshll.u32 s7, $0x1;
	s4 =	sadd.s32 s5, s19  }
0x9d: {  	s8 =	simm.s32 $0x0;
	s20 =	sshll.u32 s6, $0x1;
	s6 =	sadd.s32 s21, s4  }
0x9e: {  	[timem:s8], [sflag:s22] =	dma.local [hbm:s6], s20  }
0x9f: {  	_ =	swait.ge [sflag:s22], s20  }
0xa0: {  	s5 =	ssub.s32 $0x0, s20;
	[sflag:s22] =	ssyncset.done $0x0  }
0xa1: {  	[sflag:s22] =	ssyncadd.s32 s5;
	_ =	sdelay $0x1  }
0xa2: {  	s23 =	simm.s32 $0x1B8B  }
0xa3: {  	_ =	swait.ge [sflag:s23], $0x1  }
0xa4: {  	[sflag:s23] =	ssyncset.done $0x0  }
0xa5: {  	s25 =	simm.s32 $0x1B8E;
	s24 =	sld [smem:$0x3FFE];
	[sflag:s23] =	ssyncadd.s32 $0xFFFFFFFF  }
0xa6: {  	s26 =	simm.s32 $execute0_lowered;
	[smem:$0x3FD2] =	sst s25  }
0xa7: {  	s6 =	sshll.u32 s26, $0x1;
	_ =	strace $0x80000046;
	[dreg:$0x1] =	wrdreg $0xFFFFFFFF  }
0xa8: {  	s28 =	simm.s32 $_size_execute0_lowered;
	s4 =	sadd.s32 s4, s6;
	[dreg:$0x0] =	wrdreg $0x0  }
0xa9: {  	s6 =	sshll.u32 s28, $0x1;
	[dreg:$0x2] =	wrdreg s4  }
0xaa: {  	[dreg:$0x3] =	wrdreg s6  }
0xab: {  	[dreg:$0x4] =	wrdreg $0xC0  }
0xac: {  	_ =	task [dreg:s8], $0x5FFFF  }
0xad: {  	[dreg:$0x1] =	wrdreg $0xFFFFFFFF  }
0xae: {  	[dreg:$0x0] =	wrdreg $0x60  }
0xaf: {  	[dreg:$0x2] =	wrdreg s24  }
0xb0: {  	[dreg:$0x3] =	wrdreg s2  }
0xb1: {  	[dreg:$0x4] =	wrdreg s18  }
0xb2: {  	[dreg:$0x5] =	wrdreg $0x9  }
0xb3: {  	_ =	task.clear_ibuf [dreg:s8], $0x6FFFF;
	_ =	strace $0x90000046  }
0xb4: {  	s29 =	simm.s32 $0x9;
	_ =	strace $0x80000048  }
0xb5: {  	_ =	swait.ge [sflag:s29], $0x1  }
0xb6: {  	[sflag:s29] =	ssyncadd.s32 $0xFFFFFFFF  }
0xb7: {  	_ =	strace $0x90000048  }
0xb8: {  	_ =	sfence  }
0xb9: {  	s30 =	sld [smem:$0x0];
	_ =	sdelay $0x2  }
0xba: {  	s31 =	sshll.u32 s1, $0xD;
	s1 =	sshrl.u32 s1, $0x2  }
0xbb: {  	s3 =	sand.u32 $0x4000, s31;
	s1 =	sadd.s32 s1, s30  }
0xbc: {  	s0 =	sor.u32 s3, s0;
	s1 =	sshll.u32 s1, $0x11  }
0xbd: {  	s0 =	sor.u32 s1, s0  }
0xbe: {  	s0 =	sadd.s32 $0x8F2B, s0  }
0xbf: {  	[sflag:s0] =	ssyncadd.remote.s32 $0x1  }
0xc0: {  	_ =	sfence.sel $0xFFFF  }
0xc1: {  	[dreg:$0x0] =	wrdreg $0xFFFFFFFF;
	(pc) =	sbr.abs _section_cstart, $3  }
0xc2: {  	[dreg:$0x1] =	wrdreg $0xFFFFFFFF  }
0xc3: {  	_ =	task.clear_ibuf [dreg:s8], $0x2FFFF;
	_ =	strace $0x9FFFFFFF  }
0xc4: {  	(tm) =	ssettm $0x7FFFFFFF  }
0xc5: {  	_ =	shalt  }
tec
execute0_lowered:
.L_overlay_start_1:
0x0: {  	(tag) =	ssettag $0x1  }
0x1: {  	s0 =	rddreg [dreg:$0x0];
	s1 =	srdreg.scid  }
0x2: {  	s3 =	stileid.u32;
	s2 =	rddreg [dreg:$0x1];
	s13 =	simm.s32 $0x9C00  }
0x3: {  	s14 =	simm.s32 $0xDC00;
	s15 =	simm.s32 $0x80;
	s16 =	simm.s32 $0x1C00  }
0x4: {  	s17 =	simm.s32 $0x5C00;
	s18 =	simm.s32 $0x11C00;
	s19 =	simm.s32 $0x7  }
0x5: {  	s20 =	simm.s32 $0x1;
	s21 =	simm.s32 $0x15C00;
	s22 =	simm.s32 $0x8  }
0x6: {  	s23 =	simm.s32 $0x2;
	s24 =	simm.s32 $0x3;
	s25 =	simm.s32 $0x9  }
0x7: {  	s1 =	sand.u32 $0x1, s1;
	s4 =	sshll.u32 s3, $0x1;
	s3 =	rddreg [dreg:$0x2]  }
0x8: {  	s6 =	sor.u32 s1, s4;
	s4 =	simm.s32 $0x0;
	s1 =	ssub.s32 $0x2, s1  }
0x9: {  	s5 =	smul.u32 $0x380, s6;
	[smem:$0x7FF] =	sst s4;
	s9 =	sshrl.u32 s1, $0x1  }
0xa: {  	s7 =	smul.u32 $0xC8000, s6;
	_ =	strace $0x80000047;
	s1 =	ssub.s32 s1, s9  }
0xb: {  	s8 =	sadd.s32 s5, s0;
	s5 =	sadd.s32 $0x7400, s0;
	s0 =	sadd.s32 $0x7C00, s0  }
0xc: {  	s7 =	sshrl.u32 s7, $0x3;
	s31 =	smax.u32 s1, $0x1;
	[dreg:$0x5] =	wrdreg s0  }
0xd: {  	s8 =	sadd.s32 $0x400, s8;
	s7 =	sadd.s32 s3, s7;
	[dreg:$0x8] =	wrdreg s31  }
0xe: {  	s26 =	simm.s32 $0x4;
	[dreg:$0x4] =	wrdreg s8;
	s29 =	sadd.s32 $0x18000, s7  }
0xf: {  	s28 =	simm.s32 $0xA;
	s30 =	sadd.s32 $0x18800, s7;
	[dreg:$0x6] =	wrdreg s29  }
0x10: {  	s6 =	smul.u32 $0x32, s6;
	s1 =	simm.s32 $0x0;
	[dreg:$0x7] =	wrdreg s30  }
.LBB2_1:
0x11: {  	s0 =	rddreg [dreg:$0x4];
	s30 =	simm.s32 $0xB  }
0x12: {  	[tilespmem:s4], [sflag:$0xB] =	stream.linear.gather [hbm4b:s0+s4], $0x1900, $0x38;
	[tilespmem:$0x19C00] =	vst v63  }
0x13: {  	_ =	swait.ge [sflag:s30], $0x1900  }
0x14: {  	[sflag:s30] =	ssyncset.done $0x0  }
0x15: {  	[sflag:s30] =	ssyncadd.s32 $0xFFFFE700  }
0x16: {  	[tilespmem:s13], [sflag:$0x7] =	stream.linear.gather [hbm4b:s5+s4], $0x4000, $0x38;
	[tilespmem:$0x19C00] =	vst v63  }
0x17: {  	s31 =	rddreg [dreg:$0x5]  }
0x18: {  	[tilespmem:s14], [sflag:$0x8] =	stream.linear.gather [hbm4b:s31+s4], $0x4000, $0x38;
	[tilespmem:$0x19C00] =	vst v63  }
0x19: {  	s0 =	simm.s32 $0x0  }
0x1a: {  	[tilespmem:s16], [sflag:$0x1] =	stream.indirect.gather [hbm4b:s2+s15], $0x80, s4, s15, $0xb8;
	[tilespmem:$0x19C00] =	vst v63  }
.LBB2_2:
0x1b: {  	s8 =	sshll.u32 s0, $0x2  }
0x1c: {  	s7 =	sor.u32 $0x2, s8  }
0x1d: {  	s9 =	sor.u32 $0x1, s8;
	s11 =	sshll.u32 s7, $0x7  }
0x1e: {  	s10 =	sshll.u32 s9, $0x7;
	s12 =	sand.u32 $0xFF80, s11  }
0x1f: {  	s10 =	sand.u32 $0x3FFFFE80, s10;
	s12 =	smul.u32 $0x147B, s12  }
0x20: {  	[tilespmem:s17], [sflag:$0x2] =	stream.indirect.gather [hbm4b:s2+s15], $0x80, s10, s15, $0xb8;
	[tilespmem:$0x19C00] =	vst v63  }
0x21: {  	s30 =	sshrl.u32 s12, $0x14  }
0x22: {  	s10 =	smul.u32 $0xC8, s30  }
0x23: {  	p0 =	seq.s32 s0, $0x0  }
0x24: {  	s12 =	simm.s32 @!p0 $0x5;
	s10 =	ssub.s32 s11, s10  }
0x25: {  	_ =	swait.ge @!p0 [sflag:s12], $0x4000;
	s10 =	sshll.u32 s10, $0x4  }
0x26: {  	[sflag:s12] =	ssyncset.done @!p0 $0x0;
	s10 =	sand.u32 $0xFF80, s10  }
0x27: {  	s31 =	simm.s32 $0x0;
	[sflag:s12] =	ssyncadd.s32 @!p0 $0xFFFFC000;
	s10 =	sadd.s32 s10, s5  }
0x28: {  	[tilespmem:s18], [sflag:$0x9] =	stream.linear.gather [hbm4b:s10+s31], $0x4000, $0x38;
	[tilespmem:$0x19C00] =	vst v63  }
0x29: {  	_ =	swait.ge [sflag:s19], $0x4000  }
0x2a: {  	[sflag:s19] =	ssyncset.done $0x0  }
0x2b: {  	[sflag:s19] =	ssyncadd.s32 $0xFFFFC000  }
0x2c: {  	_ =	swait.ge [sflag:s20], $0x4000  }
0x2d: {  	[sflag:s20] =	ssyncset.done $0x0  }
0x2e: {  	s12 =	simm.s32 $0x0;
	s10 =	simm.s32 $0x200;
	[sflag:s20] =	ssyncadd.s32 $0xFFFFC000  }
.LBB2_3:
0x2f: {  	p1 =	sne.s32 s10, $0xFE00;
	v0 =	vld [tilespmem:s12+$0x1C70]  }
0x30: {  	v1 =	vld [tilespmem:s12+$0x1C00]  }
0x31: {  	v2 =	vld [tilespmem:s12+$0x1C10]  }
0x32: {  	v3 =	vld [tilespmem:s12+$0x1C20]  }
0x33: {  	v4 =	vld [tilespmem:s12+$0x1C30]  }
0x34: {  	v5 =	vld [tilespmem:s12+$0x1C40];
	v0 =	vmul.f32 $1.131370830e+01, v0  }
0x35: {  	v1 =	vmul.f32 $1.131370830e+01, v1;
	v6 =	vld [tilespmem:s12+$0x1C50]  }
0x36: {  	v2 =	vmul.f32 $1.131370830e+01, v2;
	[tilespmem:s12+$0x9C70] =	vst.add.f32.msk $0xffff, v0  }
0x37: {  	v0 =	vmul.f32 $1.131370830e+01, v3;
	v3 =	vld [tilespmem:s12+$0x1C60]  }
0x38: {  	[tilespmem:s12+$0x9C00] =	vst.add.f32.msk $0xffff, v1;
	v1 =	vmul.f32 $1.131370830e+01, v4  }
0x39: {  	[tilespmem:s12+$0x9C10] =	vst.add.f32.msk $0xffff, v2;
	v2 =	vmul.f32 $1.131370830e+01, v5  }
.Ltmp0:
0x3a: {  	[tilespmem:s12+$0x9C20] =	vst.add.f32.msk $0xffff, v0;
	v0 =	vmul.f32 $1.131370830e+01, v6;
	(pc) =	sbr.rel @p1 .LBB2_3-.Ltmp0, $4  }
0x3b: {  	[tilespmem:s12+$0x9C30] =	vst.add.f32.msk $0xffff, v1  }
0x3c: {  	[tilespmem:s12+$0x9C40] =	vst.add.f32.msk $0xffff, v2;
	v1 =	vmul.f32 $1.131370830e+01, v3  }
0x3d: {  	[tilespmem:s12+$0x9C50] =	vst.add.f32.msk $0xffff, v0  }
0x3e: {  	[tilespmem:s12+$0x9C60] =	vst.add.f32.msk $0xffff, v1;
	s12 =	sshra.s32 s10, $0x2;
	s10 =	sadd.s32 $0x200, s10  }
0x3f: {  	v0 =	vld [tilespmem:s12+$0x1C70]  }
0x40: {  	v1 =	vld [tilespmem:s12+$0x1C00]  }
0x41: {  	v2 =	vld [tilespmem:s12+$0x1C10]  }
0x42: {  	v3 =	vld [tilespmem:s12+$0x1C20]  }
0x43: {  	v4 =	vld [tilespmem:s12+$0x1C30]  }
0x44: {  	v5 =	vld [tilespmem:s12+$0x1C40]  }
0x45: {  	v6 =	vld [tilespmem:s12+$0x1C50];
	v0 =	vmul.f32 $1.131370830e+01, v0  }
0x46: {  	v59 =	vld [tilespmem:s12+$0x1C60];
	v1 =	vmul.f32 $1.131370830e+01, v1  }
0x47: {  	v58 =	vmul.f32 $1.131370830e+01, v2;
	[tilespmem:s12+$0x9C70] =	vst.add.f32.msk $0xffff, v0  }
0x48: {  	v3 =	vmul.f32 $1.131370830e+01, v3;
	[tilespmem:s12+$0x9C00] =	vst.add.f32.msk $0xffff, v1  }
0x49: {  	s29 =	sor.u32 $0x3, s8;
	v60 =	vmul.f32 $1.131370830e+01, v4;
	[tilespmem:s12+$0x9C10] =	vst.add.f32.msk $0xffff, v58  }
0x4a: {  	s10 =	sshll.u32 s29, $0x7;
	v61 =	vmul.f32 $1.131370830e+01, v5;
	[tilespmem:s12+$0x9C20] =	vst.add.f32.msk $0xffff, v3  }
0x4b: {  	s31 =	sand.u32 $0xFF80, s10;
	v62 =	vmul.f32 $1.131370830e+01, v6;
	[tilespmem:s12+$0x9C30] =	vst.add.f32.msk $0xffff, v60  }
0x4c: {  	s30 =	sadd.s32 s6, s8;
	s31 =	smul.u32 $0x147B, s31;
	v63 =	vmul.f32 $1.131370830e+01, v59;
	[tilespmem:s12+$0x9C40] =	vst.add.f32.msk $0xffff, v61  }
0x4d: {  	s30 =	sshll.u32 s30, $0xB;
	[tilespmem:s12+$0x9C50] =	vst.add.f32.msk $0xffff, v62  }
0x4e: {  	s31 =	sshrl.u32 s31, $0x14;
	[tilespmem:s12+$0x9C60] =	vst.add.f32.msk $0xffff, v63;
	s12 =	sadd.s32 s3, s30  }
0x4f: {  	[hbm4b:s12+s4] =	stream.linear.scatter [tilespmem:s13], [sflag:$0x3], $0x4000, $0x38;
	[tilespmem:$0x19C00] =	vst v63  }
0x50: {  	s11 =	sand.u32 $0x3FFFFF80, s11;
	s12 =	smul.u32 $0xC8, s31  }
0x51: {  	[tilespmem:s16], [sflag:$0x1] =	stream.indirect.gather [hbm4b:s2+s15], $0x80, s11, s15, $0xb8;
	[tilespmem:$0x19C00] =	vst v63  }
0x52: {  	s11 =	simm.s32 @!p0 $0x6;
	s12 =	ssub.s32 s10, s12  }
0x53: {  	_ =	swait.ge @!p0 [sflag:s11], $0x4000;
	s12 =	sshll.u32 s12, $0x4  }
0x54: {  	[sflag:s11] =	ssyncset.done @!p0 $0x0;
	s12 =	sand.u32 $0xFF80, s12  }
0x55: {  	s31 =	simm.s32 $0x0;
	[sflag:s11] =	ssyncadd.s32 @!p0 $0xFFFFC000;
	s30 =	sadd.s32 s12, s5  }
0x56: {  	[tilespmem:s21], [sflag:$0xA] =	stream.linear.gather [hbm4b:s30+s31], $0x4000, $0x38;
	[tilespmem:$0x19C00] =	vst v63  }
0x57: {  	_ =	swait.ge [sflag:s22], $0x4000  }
0x58: {  	[sflag:s22] =	ssyncset.done $0x0  }
0x59: {  	[sflag:s22] =	ssyncadd.s32 $0xFFFFC000  }
0x5a: {  	_ =	swait.ge [sflag:s23], $0x4000  }
0x5b: {  	[sflag:s23] =	ssyncset.done $0x0  }
0x5c: {  	s11 =	simm.s32 $0x0;
	s12 =	simm.s32 $0x200;
	[sflag:s23] =	ssyncadd.s32 $0xFFFFC000  }
.LBB2_5:
0x5d: {  	p0 =	sne.s32 s12, $0xFE00;
	v0 =	vld [tilespmem:s11+$0x5C70]  }
0x5e: {  	v1 =	vld [tilespmem:s11+$0x5C00]  }
0x5f: {  	v2 =	vld [tilespmem:s11+$0x5C10]  }
0x60: {  	v3 =	vld [tilespmem:s11+$0x5C20]  }
0x61: {  	v4 =	vld [tilespmem:s11+$0x5C30]  }
0x62: {  	v5 =	vld [tilespmem:s11+$0x5C40];
	v0 =	vmul.f32 $1.131370830e+01, v0  }
0x63: {  	v1 =	vmul.f32 $1.131370830e+01, v1;
	v6 =	vld [tilespmem:s11+$0x5C50]  }
0x64: {  	v2 =	vmul.f32 $1.131370830e+01, v2;
	[tilespmem:s11+$0xDC70] =	vst.add.f32.msk $0xffff, v0  }
0x65: {  	v0 =	vmul.f32 $1.131370830e+01, v3;
	v3 =	vld [tilespmem:s11+$0x5C60]  }
0x66: {  	[tilespmem:s11+$0xDC00] =	vst.add.f32.msk $0xffff, v1;
	v1 =	vmul.f32 $1.131370830e+01, v4  }
0x67: {  	[tilespmem:s11+$0xDC10] =	vst.add.f32.msk $0xffff, v2;
	v2 =	vmul.f32 $1.131370830e+01, v5  }
.Ltmp1:
0x68: {  	[tilespmem:s11+$0xDC20] =	vst.add.f32.msk $0xffff, v0;
	v0 =	vmul.f32 $1.131370830e+01, v6;
	(pc) =	sbr.rel @p0 .LBB2_5-.Ltmp1, $4  }
0x69: {  	[tilespmem:s11+$0xDC30] =	vst.add.f32.msk $0xffff, v1  }
0x6a: {  	[tilespmem:s11+$0xDC40] =	vst.add.f32.msk $0xffff, v2;
	v1 =	vmul.f32 $1.131370830e+01, v3  }
0x6b: {  	[tilespmem:s11+$0xDC50] =	vst.add.f32.msk $0xffff, v0  }
0x6c: {  	[tilespmem:s11+$0xDC60] =	vst.add.f32.msk $0xffff, v1;
	s11 =	sshra.s32 s12, $0x2;
	s12 =	sadd.s32 $0x200, s12  }
0x6d: {  	v0 =	vld [tilespmem:s11+$0x5C70]  }
0x6e: {  	v1 =	vld [tilespmem:s11+$0x5C00]  }
0x6f: {  	v2 =	vld [tilespmem:s11+$0x5C10]  }
0x70: {  	v3 =	vld [tilespmem:s11+$0x5C20]  }
0x71: {  	v4 =	vld [tilespmem:s11+$0x5C30]  }
0x72: {  	v5 =	vld [tilespmem:s11+$0x5C40]  }
0x73: {  	v6 =	vld [tilespmem:s11+$0x5C50];
	v0 =	vmul.f32 $1.131370830e+01, v0  }
0x74: {  	v59 =	vld [tilespmem:s11+$0x5C60];
	v1 =	vmul.f32 $1.131370830e+01, v1  }
0x75: {  	v58 =	vmul.f32 $1.131370830e+01, v2;
	[tilespmem:s11+$0xDC70] =	vst.add.f32.msk $0xffff, v0  }
0x76: {  	v3 =	vmul.f32 $1.131370830e+01, v3;
	[tilespmem:s11+$0xDC00] =	vst.add.f32.msk $0xffff, v1  }
0x77: {  	v60 =	vmul.f32 $1.131370830e+01, v4;
	[tilespmem:s11+$0xDC10] =	vst.add.f32.msk $0xffff, v58  }
0x78: {  	s9 =	sadd.s32 s6, s9;
	s8 =	sadd.s32 $0x4, s8;
	v61 =	vmul.f32 $1.131370830e+01, v5;
	[tilespmem:s11+$0xDC20] =	vst.add.f32.msk $0xffff, v3  }
0x79: {  	s9 =	sshll.u32 s9, $0xB;
	s8 =	sshll.u32 s8, $0x7;
	v62 =	vmul.f32 $1.131370830e+01, v6;
	[tilespmem:s11+$0xDC30] =	vst.add.f32.msk $0xffff, v60  }
0x7a: {  	s12 =	smulhi.u32 $0x51EB851F, s8;
	v63 =	vmul.f32 $1.131370830e+01, v59;
	[tilespmem:s11+$0xDC40] =	vst.add.f32.msk $0xffff, v61  }
0x7b: {  	s9 =	sand.u32 $0x1FFFF800, s9;
	[tilespmem:s11+$0xDC50] =	vst.add.f32.msk $0xffff, v62  }
0x7c: {  	s30 =	simm.s32 $0x0;
	s9 =	sadd.s32 s3, s9;
	s31 =	sshrl.u32 s12, $0x6;
	[tilespmem:s11+$0xDC60] =	vst.add.f32.msk $0xffff, v63  }
0x7d: {  	[hbm4b:s9+s30] =	stream.linear.scatter [tilespmem:s14], [sflag:$0x4], $0x4000, $0x38;
	[tilespmem:$0x19C00] =	vst v63  }
0x7e: {  	s10 =	sand.u32 $0x3FFFFF80, s10;
	s9 =	smul.u32 $0xC8, s31  }
0x7f: {  	[tilespmem:s17], [sflag:$0x2] =	stream.indirect.gather [hbm4b:s2+s15], $0x80, s10, s15, $0xb8;
	[tilespmem:$0x19C00] =	vst v63  }
0x80: {  	s9 =	ssub.s32 s8, s9;
	_ =	swait.ge [sflag:s24], $0x4000  }
0x81: {  	s9 =	sshll.u32 s9, $0x4;
	[sflag:s24] =	ssyncset.done $0x0  }
0x82: {  	s9 =	sadd.s32 s5, s9;
	[sflag:s24] =	ssyncadd.s32 $0xFFFFC000  }
0x83: {  	[tilespmem:s13], [sflag:$0x7] =	stream.linear.gather [hbm4b:s9+s30], $0x4000, $0x38;
	[tilespmem:$0x19C00] =	vst v63  }
0x84: {  	_ =	swait.ge [sflag:s25], $0x4000  }
0x85: {  	[sflag:s25] =	ssyncset.done $0x0  }
0x86: {  	[sflag:s25] =	ssyncadd.s32 $0xFFFFC000  }
0x87: {  	_ =	swait.ge [sflag:s20], $0x4000  }
0x88: {  	[sflag:s20] =	ssyncset.done $0x0  }
0x89: {  	s10 =	simm.s32 $0x200;
	s9 =	simm.s32 $0x0;
	[sflag:s20] =	ssyncadd.s32 $0xFFFFC000  }
.LBB2_7:
0x8a: {  	p0 =	sne.s32 s10, $0xFE00;
	v0 =	vld [tilespmem:s9+$0x1C70]  }
0x8b: {  	v1 =	vld [tilespmem:s9+$0x1C00]  }
0x8c: {  	v2 =	vld [tilespmem:s9+$0x1C10]  }
0x8d: {  	v3 =	vld [tilespmem:s9+$0x1C20]  }
0x8e: {  	v4 =	vld [tilespmem:s9+$0x1C30]  }
0x8f: {  	v5 =	vld [tilespmem:s9+$0x1C40];
	v0 =	vmul.f32 $1.131370830e+01, v0  }
0x90: {  	v1 =	vmul.f32 $1.131370830e+01, v1;
	v6 =	vld [tilespmem:s9+$0x1C50]  }
0x91: {  	v2 =	vmul.f32 $1.131370830e+01, v2;
	[tilespmem:s9+$0x11C70] =	vst.add.f32.msk $0xffff, v0  }
0x92: {  	v0 =	vmul.f32 $1.131370830e+01, v3;
	v3 =	vld [tilespmem:s9+$0x1C60]  }
0x93: {  	[tilespmem:s9+$0x11C00] =	vst.add.f32.msk $0xffff, v1;
	v1 =	vmul.f32 $1.131370830e+01, v4  }
0x94: {  	[tilespmem:s9+$0x11C10] =	vst.add.f32.msk $0xffff, v2;
	v2 =	vmul.f32 $1.131370830e+01, v5  }
.Ltmp2:
0x95: {  	[tilespmem:s9+$0x11C20] =	vst.add.f32.msk $0xffff, v0;
	v0 =	vmul.f32 $1.131370830e+01, v6;
	(pc) =	sbr.rel @p0 .LBB2_7-.Ltmp2, $4  }
0x96: {  	[tilespmem:s9+$0x11C30] =	vst.add.f32.msk $0xffff, v1  }
0x97: {  	[tilespmem:s9+$0x11C40] =	vst.add.f32.msk $0xffff, v2;
	v1 =	vmul.f32 $1.131370830e+01, v3  }
0x98: {  	[tilespmem:s9+$0x11C50] =	vst.add.f32.msk $0xffff, v0  }
0x99: {  	[tilespmem:s9+$0x11C60] =	vst.add.f32.msk $0xffff, v1;
	s9 =	sshra.s32 s10, $0x2;
	s10 =	sadd.s32 $0x200, s10  }
0x9a: {  	v0 =	vld [tilespmem:s9+$0x1C70]  }
0x9b: {  	v1 =	vld [tilespmem:s9+$0x1C00]  }
0x9c: {  	v2 =	vld [tilespmem:s9+$0x1C10]  }
0x9d: {  	v3 =	vld [tilespmem:s9+$0x1C20]  }
0x9e: {  	v4 =	vld [tilespmem:s9+$0x1C30]  }
0x9f: {  	v5 =	vld [tilespmem:s9+$0x1C40]  }
0xa0: {  	v6 =	vld [tilespmem:s9+$0x1C50];
	v0 =	vmul.f32 $1.131370830e+01, v0  }
0xa1: {  	v59 =	vld [tilespmem:s9+$0x1C60];
	v1 =	vmul.f32 $1.131370830e+01, v1  }
0xa2: {  	v58 =	vmul.f32 $1.131370830e+01, v2;
	[tilespmem:s9+$0x11C70] =	vst.add.f32.msk $0xffff, v0  }
0xa3: {  	v3 =	vmul.f32 $1.131370830e+01, v3;
	[tilespmem:s9+$0x11C00] =	vst.add.f32.msk $0xffff, v1  }
0xa4: {  	v60 =	vmul.f32 $1.131370830e+01, v4;
	[tilespmem:s9+$0x11C10] =	vst.add.f32.msk $0xffff, v58  }
0xa5: {  	s7 =	sadd.s32 s6, s7;
	s10 =	sshll.u32 s0, $0x9;
	v61 =	vmul.f32 $1.131370830e+01, v5;
	[tilespmem:s9+$0x11C20] =	vst.add.f32.msk $0xffff, v3  }
0xa6: {  	s7 =	sshll.u32 s7, $0xB;
	s10 =	sadd.s32 $0x280, s10;
	v62 =	vmul.f32 $1.131370830e+01, v6;
	[tilespmem:s9+$0x11C30] =	vst.add.f32.msk $0xffff, v60  }
0xa7: {  	s11 =	smulhi.u32 $0x51EB851F, s10;
	v63 =	vmul.f32 $1.131370830e+01, v59;
	[tilespmem:s9+$0x11C40] =	vst.add.f32.msk $0xffff, v61  }
0xa8: {  	s7 =	sand.u32 $0x1FFFF000, s7;
	[tilespmem:s9+$0x11C50] =	vst.add.f32.msk $0xffff, v62  }
0xa9: {  	s30 =	simm.s32 $0x0;
	s7 =	sadd.s32 s3, s7;
	s31 =	sshrl.u32 s11, $0x6;
	[tilespmem:s9+$0x11C60] =	vst.add.f32.msk $0xffff, v63  }
0xaa: {  	[hbm4b:s7+s30] =	stream.linear.scatter [tilespmem:s18], [sflag:$0x5], $0x4000, $0x38;
	[tilespmem:$0x19C00] =	vst v63  }
0xab: {  	s8 =	sand.u32 $0x3FFFFF80, s8;
	s7 =	smul.u32 $0xC8, s31  }
0xac: {  	[tilespmem:s16], [sflag:$0x1] =	stream.indirect.gather [hbm4b:s2+s15], $0x80, s8, s15, $0xb8;
	[tilespmem:$0x19C00] =	vst v63  }
0xad: {  	s7 =	ssub.s32 s10, s7;
	_ =	swait.ge [sflag:s26], $0x4000  }
0xae: {  	s7 =	sshll.u32 s7, $0x4;
	[sflag:s26] =	ssyncset.done $0x0  }
0xaf: {  	s7 =	sadd.s32 s5, s7;
	[sflag:s26] =	ssyncadd.s32 $0xFFFFC000  }
0xb0: {  	[tilespmem:s14], [sflag:$0x8] =	stream.linear.gather [hbm4b:s7+s30], $0x4000, $0x38;
	[tilespmem:$0x19C00] =	vst v63  }
0xb1: {  	_ =	swait.ge [sflag:s28], $0x4000  }
0xb2: {  	[sflag:s28] =	ssyncset.done $0x0  }
0xb3: {  	[sflag:s28] =	ssyncadd.s32 $0xFFFFC000  }
0xb4: {  	_ =	swait.ge [sflag:s23], $0x4000  }
0xb5: {  	[sflag:s23] =	ssyncset.done $0x0  }
0xb6: {  	s8 =	simm.s32 $0x200;
	s7 =	simm.s32 $0x0;
	[sflag:s23] =	ssyncadd.s32 $0xFFFFC000  }
.LBB2_9:
0xb7: {  	p0 =	sne.s32 s8, $0xFE00;
	v0 =	vld [tilespmem:s7+$0x5C70]  }
0xb8: {  	v1 =	vld [tilespmem:s7+$0x5C00]  }
0xb9: {  	v2 =	vld [tilespmem:s7+$0x5C10]  }
0xba: {  	v3 =	vld [tilespmem:s7+$0x5C20]  }
0xbb: {  	v4 =	vld [tilespmem:s7+$0x5C30]  }
0xbc: {  	v5 =	vld [tilespmem:s7+$0x5C40];
	v0 =	vmul.f32 $1.131370830e+01, v0  }
0xbd: {  	v1 =	vmul.f32 $1.131370830e+01, v1;
	v6 =	vld [tilespmem:s7+$0x5C50]  }
0xbe: {  	v2 =	vmul.f32 $1.131370830e+01, v2;
	[tilespmem:s7+$0x15C70] =	vst.add.f32.msk $0xffff, v0  }
0xbf: {  	v0 =	vmul.f32 $1.131370830e+01, v3;
	v3 =	vld [tilespmem:s7+$0x5C60]  }
0xc0: {  	[tilespmem:s7+$0x15C00] =	vst.add.f32.msk $0xffff, v1;
	v1 =	vmul.f32 $1.131370830e+01, v4  }
0xc1: {  	[tilespmem:s7+$0x15C10] =	vst.add.f32.msk $0xffff, v2;
	v2 =	vmul.f32 $1.131370830e+01, v5  }
.Ltmp3:
0xc2: {  	[tilespmem:s7+$0x15C20] =	vst.add.f32.msk $0xffff, v0;
	v0 =	vmul.f32 $1.131370830e+01, v6;
	(pc) =	sbr.rel @p0 .LBB2_9-.Ltmp3, $4  }
0xc3: {  	[tilespmem:s7+$0x15C30] =	vst.add.f32.msk $0xffff, v1  }
0xc4: {  	[tilespmem:s7+$0x15C40] =	vst.add.f32.msk $0xffff, v2;
	v1 =	vmul.f32 $1.131370830e+01, v3  }
0xc5: {  	[tilespmem:s7+$0x15C50] =	vst.add.f32.msk $0xffff, v0  }
0xc6: {  	[tilespmem:s7+$0x15C60] =	vst.add.f32.msk $0xffff, v1;
	s7 =	sshra.s32 s8, $0x2;
	s8 =	sadd.s32 $0x200, s8  }
0xc7: {  	v0 =	vld [tilespmem:s7+$0x5C70]  }
0xc8: {  	v1 =	vld [tilespmem:s7+$0x5C00]  }
0xc9: {  	v2 =	vld [tilespmem:s7+$0x5C10]  }
0xca: {  	v3 =	vld [tilespmem:s7+$0x5C20]  }
0xcb: {  	v4 =	vld [tilespmem:s7+$0x5C30]  }
0xcc: {  	v5 =	vld [tilespmem:s7+$0x5C40]  }
0xcd: {  	v6 =	vld [tilespmem:s7+$0x5C50];
	v0 =	vmul.f32 $1.131370830e+01, v0  }
0xce: {  	v59 =	vld [tilespmem:s7+$0x5C60];
	v1 =	vmul.f32 $1.131370830e+01, v1  }
0xcf: {  	v58 =	vmul.f32 $1.131370830e+01, v2;
	[tilespmem:s7+$0x15C70] =	vst.add.f32.msk $0xffff, v0  }
0xd0: {  	v3 =	vmul.f32 $1.131370830e+01, v3;
	[tilespmem:s7+$0x15C00] =	vst.add.f32.msk $0xffff, v1  }
0xd1: {  	s0 =	sadd.s32 $0x1, s0;
	v60 =	vmul.f32 $1.131370830e+01, v4;
	[tilespmem:s7+$0x15C10] =	vst.add.f32.msk $0xffff, v58  }
0xd2: {  	p0 =	sne.s32 s0, $0xC;
	v61 =	vmul.f32 $1.131370830e+01, v5;
	[tilespmem:s7+$0x15C20] =	vst.add.f32.msk $0xffff, v3  }
.Ltmp4:
0xd3: {  	s8 =	sadd.s32 s6, s29;
	v62 =	vmul.f32 $1.131370830e+01, v6;
	[tilespmem:s7+$0x15C30] =	vst.add.f32.msk $0xffff, v60;
	(pc) =	sbr.rel @p0 .LBB2_2-.Ltmp4, $4  }
0xd4: {  	s8 =	sshll.u32 s8, $0xB;
	v63 =	vmul.f32 $1.131370830e+01, v59;
	[tilespmem:s7+$0x15C40] =	vst.add.f32.msk $0xffff, v61  }
0xd5: {  	s8 =	sand.u32 $0x1FFFF800, s8;
	[tilespmem:s7+$0x15C50] =	vst.add.f32.msk $0xffff, v62  }
0xd6: {  	s31 =	sadd.s32 s3, s8;
	[tilespmem:s7+$0x15C60] =	vst.add.f32.msk $0xffff, v63  }
0xd7: {  	[hbm4b:s31+s4] =	stream.linear.scatter [tilespmem:s21], [sflag:$0x6], $0x4000, $0x38;
	[tilespmem:$0x19C00] =	vst v63  }
0xd8: {  	s0 =	simm.s32 $0x1880  }
0xd9: {  	[tilespmem:s17], [sflag:$0x2] =	stream.indirect.gather [hbm4b:s2+s15], $0x80, s0, s15, $0xb8;
	[tilespmem:$0x19C00] =	vst v63  }
0xda: {  	_ =	swait.ge [sflag:s19], $0x4000  }
0xdb: {  	[sflag:s19] =	ssyncset.done $0x0  }
0xdc: {  	[sflag:s19] =	ssyncadd.s32 $0xFFFFC000  }
0xdd: {  	_ =	swait.ge [sflag:s20], $0x4000  }
0xde: {  	[sflag:s20] =	ssyncset.done $0x0  }
0xdf: {  	s7 =	simm.s32 $0x200;
	s0 =	simm.s32 $0x0;
	[sflag:s20] =	ssyncadd.s32 $0xFFFFC000  }
.LBB2_12:
0xe0: {  	p0 =	sne.s32 s7, $0xFE00;
	v0 =	vld [tilespmem:s0+$0x1C70]  }
0xe1: {  	v1 =	vld [tilespmem:s0+$0x1C00]  }
0xe2: {  	v2 =	vld [tilespmem:s0+$0x1C10]  }
0xe3: {  	v3 =	vld [tilespmem:s0+$0x1C20]  }
0xe4: {  	v4 =	vld [tilespmem:s0+$0x1C30]  }
0xe5: {  	v5 =	vld [tilespmem:s0+$0x1C40];
	v0 =	vmul.f32 $1.131370830e+01, v0  }
0xe6: {  	v1 =	vmul.f32 $1.131370830e+01, v1;
	v6 =	vld [tilespmem:s0+$0x1C50]  }
0xe7: {  	v2 =	vmul.f32 $1.131370830e+01, v2;
	[tilespmem:s0+$0x9C70] =	vst.add.f32.msk $0xffff, v0  }
0xe8: {  	v0 =	vmul.f32 $1.131370830e+01, v3;
	v3 =	vld [tilespmem:s0+$0x1C60]  }
0xe9: {  	[tilespmem:s0+$0x9C00] =	vst.add.f32.msk $0xffff, v1;
	v1 =	vmul.f32 $1.131370830e+01, v4  }
0xea: {  	[tilespmem:s0+$0x9C10] =	vst.add.f32.msk $0xffff, v2;
	v2 =	vmul.f32 $1.131370830e+01, v5  }
.Ltmp5:
0xeb: {  	[tilespmem:s0+$0x9C20] =	vst.add.f32.msk $0xffff, v0;
	v0 =	vmul.f32 $1.131370830e+01, v6;
	(pc) =	sbr.rel @p0 .LBB2_12-.Ltmp5, $4  }
0xec: {  	[tilespmem:s0+$0x9C30] =	vst.add.f32.msk $0xffff, v1  }
0xed: {  	[tilespmem:s0+$0x9C40] =	vst.add.f32.msk $0xffff, v2;
	v1 =	vmul.f32 $1.131370830e+01, v3  }
0xee: {  	[tilespmem:s0+$0x9C50] =	vst.add.f32.msk $0xffff, v0  }
0xef: {  	[tilespmem:s0+$0x9C60] =	vst.add.f32.msk $0xffff, v1;
	s0 =	sshra.s32 s7, $0x2;
	s7 =	sadd.s32 $0x200, s7  }
0xf0: {  	v0 =	vld [tilespmem:s0+$0x1C70]  }
0xf1: {  	v1 =	vld [tilespmem:s0+$0x1C00]  }
0xf2: {  	v2 =	vld [tilespmem:s0+$0x1C10]  }
0xf3: {  	v3 =	vld [tilespmem:s0+$0x1C20]  }
0xf4: {  	v4 =	vld [tilespmem:s0+$0x1C30]  }
0xf5: {  	v5 =	vld [tilespmem:s0+$0x1C40]  }
0xf6: {  	v6 =	vld [tilespmem:s0+$0x1C50];
	v0 =	vmul.f32 $1.131370830e+01, v0  }
0xf7: {  	v59 =	vld [tilespmem:s0+$0x1C60];
	v1 =	vmul.f32 $1.131370830e+01, v1  }
0xf8: {  	v58 =	vmul.f32 $1.131370830e+01, v2;
	[tilespmem:s0+$0x9C70] =	vst.add.f32.msk $0xffff, v0  }
0xf9: {  	v3 =	vmul.f32 $1.131370830e+01, v3;
	[tilespmem:s0+$0x9C00] =	vst.add.f32.msk $0xffff, v1  }
0xfa: {  	v60 =	vmul.f32 $1.131370830e+01, v4;
	[tilespmem:s0+$0x9C10] =	vst.add.f32.msk $0xffff, v58  }
0xfb: {  	v61 =	vmul.f32 $1.131370830e+01, v5;
	[tilespmem:s0+$0x9C20] =	vst.add.f32.msk $0xffff, v3  }
0xfc: {  	v62 =	vmul.f32 $1.131370830e+01, v6;
	[tilespmem:s0+$0x9C30] =	vst.add.f32.msk $0xffff, v60  }
0xfd: {  	v63 =	vmul.f32 $1.131370830e+01, v59;
	[tilespmem:s0+$0x9C40] =	vst.add.f32.msk $0xffff, v61  }
0xfe: {  	[tilespmem:s0+$0x9C50] =	vst.add.f32.msk $0xffff, v62  }
0xff: {  	s31 =	simm.s32 $0x0;
	s7 =	rddreg [dreg:$0x6];
	[tilespmem:s0+$0x9C60] =	vst.add.f32.msk $0xffff, v63  }
0x100: {  	[hbm4b:s7+s31] =	stream.linear.scatter [tilespmem:s13], [sflag:$0x3], $0x4000, $0x38;
	[tilespmem:$0x19C00] =	vst v63  }
0x101: {  	_ =	swait.ge [sflag:s22], $0x4000  }
0x102: {  	[sflag:s22] =	ssyncset.done $0x0  }
0x103: {  	[sflag:s22] =	ssyncadd.s32 $0xFFFFC000  }
0x104: {  	_ =	swait.ge [sflag:s23], $0x4000  }
0x105: {  	[sflag:s23] =	ssyncset.done $0x0  }
0x106: {  	s0 =	simm.s32 $0x0;
	s7 =	simm.s32 $0x200;
	[sflag:s23] =	ssyncadd.s32 $0xFFFFC000  }
.LBB2_14:
0x107: {  	p0 =	sne.s32 s7, $0xFE00;
	v0 =	vld [tilespmem:s0+$0x5C70]  }
0x108: {  	v1 =	vld [tilespmem:s0+$0x5C00]  }
0x109: {  	v2 =	vld [tilespmem:s0+$0x5C10]  }
0x10a: {  	v3 =	vld [tilespmem:s0+$0x5C20]  }
0x10b: {  	v4 =	vld [tilespmem:s0+$0x5C30]  }
0x10c: {  	v5 =	vld [tilespmem:s0+$0x5C40];
	v0 =	vmul.f32 $1.131370830e+01, v0  }
0x10d: {  	v1 =	vmul.f32 $1.131370830e+01, v1;
	v6 =	vld [tilespmem:s0+$0x5C50]  }
0x10e: {  	v2 =	vmul.f32 $1.131370830e+01, v2;
	[tilespmem:s0+$0xDC70] =	vst.add.f32.msk $0xffff, v0  }
0x10f: {  	v0 =	vmul.f32 $1.131370830e+01, v3;
	v3 =	vld [tilespmem:s0+$0x5C60]  }
0x110: {  	[tilespmem:s0+$0xDC00] =	vst.add.f32.msk $0xffff, v1;
	v1 =	vmul.f32 $1.131370830e+01, v4  }
0x111: {  	[tilespmem:s0+$0xDC10] =	vst.add.f32.msk $0xffff, v2;
	v2 =	vmul.f32 $1.131370830e+01, v5  }
.Ltmp6:
0x112: {  	[tilespmem:s0+$0xDC20] =	vst.add.f32.msk $0xffff, v0;
	v0 =	vmul.f32 $1.131370830e+01, v6;
	(pc) =	sbr.rel @p0 .LBB2_14-.Ltmp6, $4  }
0x113: {  	[tilespmem:s0+$0xDC30] =	vst.add.f32.msk $0xffff, v1  }
0x114: {  	[tilespmem:s0+$0xDC40] =	vst.add.f32.msk $0xffff, v2;
	v1 =	vmul.f32 $1.131370830e+01, v3  }
0x115: {  	[tilespmem:s0+$0xDC50] =	vst.add.f32.msk $0xffff, v0  }
0x116: {  	[tilespmem:s0+$0xDC60] =	vst.add.f32.msk $0xffff, v1;
	s0 =	sshra.s32 s7, $0x2;
	s7 =	sadd.s32 $0x200, s7  }
0x117: {  	v0 =	vld [tilespmem:s0+$0x5C70]  }
0x118: {  	v1 =	vld [tilespmem:s0+$0x5C00]  }
0x119: {  	v2 =	vld [tilespmem:s0+$0x5C10]  }
0x11a: {  	v3 =	vld [tilespmem:s0+$0x5C20]  }
0x11b: {  	v4 =	vld [tilespmem:s0+$0x5C30]  }
0x11c: {  	v5 =	vld [tilespmem:s0+$0x5C40]  }
0x11d: {  	v6 =	vld [tilespmem:s0+$0x5C50];
	v0 =	vmul.f32 $1.131370830e+01, v0  }
0x11e: {  	v59 =	vld [tilespmem:s0+$0x5C60];
	v1 =	vmul.f32 $1.131370830e+01, v1  }
0x11f: {  	v58 =	vmul.f32 $1.131370830e+01, v2;
	[tilespmem:s0+$0xDC70] =	vst.add.f32.msk $0xffff, v0  }
0x120: {  	v3 =	vmul.f32 $1.131370830e+01, v3;
	[tilespmem:s0+$0xDC00] =	vst.add.f32.msk $0xffff, v1  }
0x121: {  	v60 =	vmul.f32 $1.131370830e+01, v4;
	[tilespmem:s0+$0xDC10] =	vst.add.f32.msk $0xffff, v58  }
0x122: {  	v61 =	vmul.f32 $1.131370830e+01, v5;
	[tilespmem:s0+$0xDC20] =	vst.add.f32.msk $0xffff, v3  }
0x123: {  	v62 =	vmul.f32 $1.131370830e+01, v6;
	[tilespmem:s0+$0xDC30] =	vst.add.f32.msk $0xffff, v60  }
0x124: {  	v63 =	vmul.f32 $1.131370830e+01, v59;
	[tilespmem:s0+$0xDC40] =	vst.add.f32.msk $0xffff, v61  }
0x125: {  	[tilespmem:s0+$0xDC50] =	vst.add.f32.msk $0xffff, v62  }
0x126: {  	s29 =	rddreg [dreg:$0x7];
	[tilespmem:s0+$0xDC60] =	vst.add.f32.msk $0xffff, v63  }
0x127: {  	[hbm4b:s29+s4] =	stream.linear.scatter [tilespmem:s14], [sflag:$0x4], $0x4000, $0x38;
	[tilespmem:$0x19C00] =	vst v63  }
0x128: {  	_ =	swait.ge [sflag:s24], $0x4000  }
0x129: {  	[sflag:s24] =	ssyncset.done $0x0  }
0x12a: {  	[sflag:s24] =	ssyncadd.s32 $0xFFFFC000  }
0x12b: {  	_ =	swait.ge [sflag:s26], $0x4000  }
0x12c: {  	[sflag:s26] =	ssyncset.done $0x0  }
0x12d: {  	s30 =	simm.s32 $0x5;
	[sflag:s26] =	ssyncadd.s32 $0xFFFFC000  }
0x12e: {  	_ =	swait.ge [sflag:s30], $0x4000  }
0x12f: {  	[sflag:s30] =	ssyncset.done $0x0  }
0x130: {  	s7 =	simm.s32 $0x6;
	[sflag:s30] =	ssyncadd.s32 $0xFFFFC000  }
0x131: {  	_ =	swait.ge [sflag:s7], $0x4000  }
0x132: {  	s1 =	sadd.s32 $0x1, s1;
	s31 =	rddreg [dreg:$0x8]  }
0x133: {  	p0 =	sne.s32 s1, s31  }
.Ltmp7:
0x134: {  	_ = 	snop;
	(pc) =	sbr.rel @p0 .LBB2_1-.Ltmp7, $3  }
0x135: {  	_ =	sdelay $0x1  }
0x136: {  	[sflag:s7] =	ssyncset.done $0x0  }
0x137: {  	[sflag:s7] =	ssyncadd.s32 $0xFFFFC000  }
0x138: {  	_ =	sfence.sel $0x180000  }
0x139: {  	[bflag:$0x0] =	sbarrier.arrive $0xFFFF  }
0x13a: {  	_ =	strace $0x90000047  }
0x13b: {  	s0 =	stileid.u32;
	[bflag:$0x2] =	sbarrier.arrive $0xFFFF  }
0x13c: {  	p0 =	sne.s32 s0, $0x0;
	s0 =	rddreg [dreg:$0x3]  }
0x13d: {  	s0 =	sadd.s32 @!p0 $0x100000, s0  }
0x13e: {  	[sflag:s0] =	ssyncadd.tile.s32 @!p0 $0x1;
	_ =	shalt  }
.Lfunc_end2:
_tile_overlayer_lowered:
.L_overlay_start_2:
0x13f: {  	(tag) =	ssettag $0x2  }
0x140: {  	s0 =	rddreg [dreg:$0x0];
	s2 =	stileid.u32  }
0x141: {  	s1 =	rddreg [dreg:$0x1];
	p0 =	sne.s32 s2, $0x0  }
0x142: {  	s3 =	rddreg [dreg:$0x2];
	[bflag:$0x3] =	sbarrier.arrive $0xFFFF;
	s2 =	simm.s32 @!p0 $0x1C0B  }
0x143: {  	[timem:s3], [sflag:s2] =	dma.local @!p0 [hbm:s0], s1  }
0x144: {  	s0 =	simm.s32 @!p0 $0xB  }
0x145: {  	_ =	swait.ge @!p0 [sflag:s0], s1  }
0x146: {  	s1 =	ssub.s32 @!p0 $0x0, s1;
	[sflag:s0] =	ssyncset.done @!p0 $0x0  }
0x147: {  	[sflag:s0] =	ssyncadd.s32 @!p0 s1  }
0x148: {  	[bflag:$0x3] =	sbarrier.arrive $0xFFFF  }
0x149: {  	_ =	shalt  }

</sc_bundles>
